<compile_context>
chip_gen: v7x
topology: tpu7x:2x2x1
jax: 0.10.2.dev20260603
libtpu: 0.0.44.dev20260713+nightly
codegen_flags: <defaults>
</compile_context>

<pallas_src>
import dataclasses
import functools

import jax
import jax.numpy as jnp
import numpy as np
from jax import lax
from jax.experimental import pallas as pl
from jax.experimental.pallas import tpu as pltpu
from jax.experimental.pallas import tpu_sc as plsc

D = 128
NTOK = 320000
NNODES = 10000
NPAD = 10112

_STATS_R = 8000
_MLP_R = 4000
_NS = 16
_NW = 32
_CHUNKS = (112000, 208000)

_SC_CHUNK = 128


def _stats_body(x_ref, s_ref, q_ref):
    i = pl.program_id(0)
    xb = x_ref[...]

    @pl.when(i == 0)
    def _():
        s_ref[...] = jnp.zeros_like(s_ref)
        q_ref[...] = jnp.zeros_like(q_ref)

    s_ref[...] += jnp.sum(xb, axis=0, keepdims=True)
    q_ref[...] += jnp.sum(xb * xb, axis=0, keepdims=True)


def _stats(x):
    return pl.pallas_call(
        _stats_body,
        grid=(NTOK // _STATS_R,),
        in_specs=[pl.BlockSpec((_STATS_R, D), lambda i: (i, 0))],
        out_specs=(pl.BlockSpec((1, D), lambda i: (0, 0)),
                   pl.BlockSpec((1, D), lambda i: (0, 0))),
        out_shape=(jax.ShapeDtypeStruct((1, D), jnp.float32),
                   jax.ShapeDtypeStruct((1, D), jnp.float32)),
    )(x)


def _mlp_body(s_ref, q_ref, bnw_ref, bnb_ref, w1_ref, b1_ref, w2_ref, b2_ref,
              x_ref, h_ref):
    mu = s_ref[...] / NTOK
    var = q_ref[...] / NTOK - mu * mu
    scale = bnw_ref[...] * lax.rsqrt(var + 1e-5)
    shift = bnb_ref[...] - mu * scale
    xn = (x_ref[...] * scale + shift).astype(jnp.bfloat16)
    g = lax.dot_general(xn, w1_ref[...], (((1,), (1,)), ((), ())),
                        preferred_element_type=jnp.float32)
    g = jnp.maximum(g + b1_ref[...], 0.0).astype(jnp.bfloat16)
    h = lax.dot_general(g, w2_ref[...], (((1,), (1,)), ((), ())),
                        preferred_element_type=jnp.float32)
    h = h + b2_ref[...]
    h_ref[0, :, :] = h[:, :D]
    h_ref[1, :, :] = h[:, D:]


def _mlp(x, tok0, chtok, s, q, bn1_w, bn1_b, w1, b1, w2, b2):
    full = lambda shape: pl.BlockSpec(shape, lambda i: tuple(0 for _ in shape))
    base = tok0 // _MLP_R
    return pl.pallas_call(
        _mlp_body,
        grid=(chtok // _MLP_R,),
        in_specs=[full((1, D)), full((1, D)), full((1, D)), full((1, D)),
                  full((2 * D, D)), full((1, 2 * D)),
                  full((2 * D, 2 * D)), full((1, 2 * D)),
                  pl.BlockSpec((_MLP_R, D), lambda i: (base + i, 0))],
        out_specs=pl.BlockSpec((2, _MLP_R, D), lambda i: (0, i, 0)),
        out_shape=jax.ShapeDtypeStruct((2, chtok, D), jnp.float32),
    )(s, q, bn1_w.reshape(1, D), bn1_b.reshape(1, D),
      w1.astype(jnp.bfloat16), b1.reshape(1, 2 * D),
      w2.astype(jnp.bfloat16), b2.reshape(1, 2 * D), x)


def _segment_sum(h_rows, idx, init, real_ch, w_ch):
    pad_ch = w_ch * _NW
    npair = w_ch // 2
    mesh = plsc.VectorSubcoreMesh(core_axis_name="c", subcore_axis_name="s")
    cp = pltpu.CompilerParams()
    if "needs_layout_passes" in pltpu.CompilerParams.__dataclass_fields__:
        cp = dataclasses.replace(cp, needs_layout_passes=False)

    @functools.partial(
        pl.kernel,
        mesh=mesh,
        compiler_params=cp,
        out_type=jax.ShapeDtypeStruct((2, NPAD, D), jnp.float32),
        scratch_types=[
            pltpu.VMEM_SHARED((NPAD, D), jnp.float32),
            pltpu.VMEM((_SC_CHUNK, D), jnp.float32),
            pltpu.VMEM((_SC_CHUNK, D), jnp.float32),
            pltpu.VMEM((_SC_CHUNK, D), jnp.float32),
            pltpu.VMEM((1, _SC_CHUNK), jnp.int32),
            pltpu.VMEM((1, _SC_CHUNK), jnp.int32),
            pltpu.VMEM((1, _SC_CHUNK), jnp.int32),
            pltpu.SemaphoreType.DMA,
            pltpu.SemaphoreType.DMA,
            pltpu.SemaphoreType.DMA,
            pltpu.SemaphoreType.DMA,
            pltpu.SemaphoreType.DMA,
            pltpu.SemaphoreType.DMA,
            pltpu.SemaphoreType.DMA,
            pltpu.SemaphoreType.DMA,
            pltpu.SemaphoreType.DMA,
        ],
    )
    def scatter_kernel(h_hbm, idx_hbm, init_hbm, out_hbm, acc,
                       buf_a, buf_b, buf_c, ib_a, ib_b, ib_c,
                       ra, rb, rc, ja, jb, jc, sa, sb, sc):
        core = lax.axis_index("c")
        sid = lax.axis_index("s")
        wid = sid * 2 + core
        rows_per_tile = NPAD // _NS
        sl = pl.ds(sid * rows_per_tile, rows_per_tile)
        pltpu.sync_copy(init_hbm.at[core].at[sl], acc.at[sl])
        plsc.subcore_barrier()

        def rows_at(c):
            cr = jnp.minimum(c, real_ch - 1)
            return h_hbm.at[pl.ds(cr * _SC_CHUNK, _SC_CHUNK)]

        def start_in(c, buf, ibuf, rs, js):
            cc = jnp.minimum(c, pad_ch - 1)
            pltpu.async_copy(rows_at(cc), buf, rs)
            pltpu.async_copy(idx_hbm.at[cc], ibuf, js)

        def wait_in(buf, ibuf, rs, js):
            pltpu.make_async_copy(rows_at(0), buf, rs).wait()
            pltpu.make_async_copy(idx_hbm.at[0], ibuf, js).wait()

        def start_scatter(buf, ibuf, sem):
            pltpu.async_copy(buf, acc.at[ibuf.at[0]], sem, add=True)

        def wait_scatter(buf, ibuf, sem):
            pltpu.make_async_copy(buf, acc.at[ibuf.at[0]], sem).wait()

        base = wid * w_ch
        start_in(base, buf_a, ib_a, ra, ja)

        @pl.loop(0, npair)
        def _(jp):
            c = base + 2 * jp
            wait_in(buf_a, ib_a, ra, ja)

            @pl.when(jp > 0)
            def _():
                wait_scatter(buf_b, ib_b, sb)

            start_in(c + 1, buf_b, ib_b, rb, jb)
            start_scatter(buf_a, ib_a, sa)
            wait_in(buf_b, ib_b, rb, jb)
            wait_scatter(buf_a, ib_a, sa)
            start_in(c + 2, buf_a, ib_a, ra, ja)
            start_scatter(buf_b, ib_b, sb)

        wait_scatter(buf_b, ib_b, sb)
        wait_in(buf_a, ib_a, ra, ja)
        plsc.subcore_barrier()
        pltpu.sync_copy(acc.at[sl], out_hbm.at[core].at[sl])

    return scatter_kernel(h_rows, idx, init)


def _node_body(p_ref, bnw_ref, bnb_ref, w3_ref, b3_ref, w4_ref, b4_ref, o_ref):
    nf = p_ref[0, :NNODES, :] + p_ref[1, :NNODES, :]
    mu = jnp.mean(nf, axis=0, keepdims=True)
    var = jnp.mean(nf * nf, axis=0, keepdims=True) - mu * mu
    xn = ((nf - mu) * lax.rsqrt(var + 1e-5) * bnw_ref[...]
          + bnb_ref[...]).astype(jnp.bfloat16)
    g = lax.dot_general(xn, w3_ref[...], (((1,), (1,)), ((), ())),
                        preferred_element_type=jnp.float32)
    g = jnp.maximum(g + b3_ref[...], 0.0).astype(jnp.bfloat16)
    o = lax.dot_general(g, w4_ref[...], (((1,), (1,)), ((), ())),
                        preferred_element_type=jnp.float32)
    o_ref[...] = o + b4_ref[...]


def _node_mlp(partial, bn2_w, bn2_b, w3, b3, w4, b4):
    return pl.pallas_call(
        _node_body,
        out_shape=jax.ShapeDtypeStruct((NNODES, D), jnp.float32),
    )(partial, bn2_w.reshape(1, D), bn2_b.reshape(1, D),
      w3.astype(jnp.bfloat16), b3.reshape(1, D),
      w4.astype(jnp.bfloat16), b4.reshape(1, D))


def kernel(x, node_features, node_batch, token_index, bn1_w, bn1_b, w1, b1,
           w2, b2, bn2_w, bn2_b, w3, b3, w4, b4):
    s, q = _stats(x)
    acc = jnp.zeros((2, NPAD, D), jnp.float32)
    tok0 = 0
    for chtok in _CHUNKS:
        h = _mlp(x, tok0, chtok, s, q, bn1_w, bn1_b, w1, b1, w2, b2)
        ch_rows = 2 * chtok
        real_ch = ch_rows // _SC_CHUNK
        w_ch = ((real_ch + _NW - 1) // _NW + 1) // 2 * 2
        pad_ch = w_ch * _NW
        npadrow = pad_ch * _SC_CHUNK - ch_rows
        pad_idx = NNODES + jnp.arange(npadrow, dtype=jnp.int32) % (NPAD - NNODES)
        idx = jnp.concatenate(
            [token_index[:, tok0:tok0 + chtok].reshape(-1), pad_idx]
        ).reshape(pad_ch, 1, _SC_CHUNK)
        acc = _segment_sum(h.reshape(ch_rows, D), idx, acc, real_ch, w_ch)
        tok0 += chtok
    return _node_mlp(acc, bn2_w, bn2_b, w3, b3, w4, b4)

# --- scband reference (transcript-rebuilt; emitter-appended) ---
"""Pipeline reference for scband-gtsdecomposer-62002147885262 (READ-ONLY COPY).

The authoritative reference and input builder live on the scoring server;
editing this copy changes nothing except your own understanding.
"""

import jax, jax.numpy as jnp
import numpy as np

EMBED = 128
N_NODES = 10000
N_TOK = 320000

def _bn(x, w, b, eps=1e-5):
    mu = jnp.mean(x, axis=0)
    var = jnp.var(x, axis=0)
    return (x - mu) / jnp.sqrt(var + eps) * w + b

def setup_inputs(seed: int = 0) -> dict:
    key = jax.random.key(seed)
    ks = jax.random.split(key, 16)
    d = EMBED
    inp = {}
    inp["x"] = jax.random.normal(ks[0], (N_TOK, d), dtype=jnp.float32)
    inp["node_features"] = jax.random.normal(ks[1], (N_NODES, d), dtype=jnp.float32)
    inp["node_batch"] = jax.random.randint(ks[2], (N_NODES,), 0, 8, dtype=jnp.int64) if jax.config.jax_enable_x64 else jax.random.randint(ks[2], (N_NODES,), 0, 8, dtype=jnp.int32)
    inp["token_index"] = jax.random.randint(ks[3], (2, N_TOK), 0, N_NODES, dtype=jnp.int32)
    # out_proj: BN(d) -> Linear(d, 2d) -> ReLU -> Linear(2d, 2d)
    inp["bn1_w"] = jnp.ones((d,), jnp.float32)
    inp["bn1_b"] = jnp.zeros((d,), jnp.float32)
    inp["w1"] = jax.random.normal(ks[4], (2 * d, d), dtype=jnp.float32) * (1.0 / np.sqrt(d))
    inp["b1"] = jnp.zeros((2 * d,), jnp.float32)
    inp["w2"] = jax.random.normal(ks[5], (2 * d, 2 * d), dtype=jnp.float32) * (1.0 / np.sqrt(2 * d))
    inp["b2"] = jnp.zeros((2 * d,), jnp.float32)
    # node_mlp: BN(d) -> Linear(d, d) -> ReLU -> Linear(d, d)
    inp["bn2_w"] = jnp.ones((d,), jnp.float32)
    inp["bn2_b"] = jnp.zeros((d,), jnp.float32)
    inp["w3"] = jax.random.normal(ks[6], (d, d), dtype=jnp.float32) * (1.0 / np.sqrt(d))
    inp["b3"] = jnp.zeros((d,), jnp.float32)
    inp["w4"] = jax.random.normal(ks[7], (d, d), dtype=jnp.float32) * (1.0 / np.sqrt(d))
    inp["b4"] = jnp.zeros((d,), jnp.float32)
    return inp

def reference(x, node_features, node_batch, token_index, bn1_w, bn1_b, w1, b1, w2, b2, bn2_w, bn2_b, w3, b3, w4, b4):
    d = EMBED
    # out_proj MLP (dropout p=0 -> identity; BatchNorm in training mode uses batch stats)
    h = _bn(x, bn1_w, bn1_b)
    h = h @ w1.T + b1
    h = jax.nn.relu(h)
    h = h @ w2.T + b2
    dim_size = node_batch.shape[0]
    nf = jnp.zeros_like(node_features)
    for i in range(2):
        fi = h[:, i * d:(i + 1) * d]
        nf = nf + jax.ops.segment_sum(fi, token_index[i], num_segments=dim_size)
    # node_mlp
    o = _bn(nf, bn2_w, bn2_b)
    o = o @ w3.T + b3
    o = jax.nn.relu(o)
    o = o @ w4.T + b4
    return o

if __name__ == "__main__":
    import jax
    _d = setup_inputs()
    print(jax.jit(kernel)(*tuple(_d.values())))

</pallas_src>

<mosaic_0001>
#map = affine_map<(d0, d1) -> (0, 0)>
#map1 = affine_map<(d0, d1) -> (0, 0, 0)>
module attributes {stable_mosaic.version = 14 : i64} {
  func.func @scatter_kernel(%arg0: i32, %arg1: i32, %arg2: memref<416000x128xf32, #tpu.memory_space<hbm>>, %arg3: memref<3264x1x128xi32, #tpu.memory_space<hbm>>, %arg4: memref<2x10112x128xf32, #tpu.memory_space<hbm>>, %arg5: memref<2x10112x128xf32, #tpu.memory_space<hbm>>, %arg6: memref<10112x128xf32, #tpu.memory_space<vmem_shared>>, %arg7: memref<128x128xf32, #tpu.memory_space<vmem>>, %arg8: memref<128x128xf32, #tpu.memory_space<vmem>>, %arg9: memref<128x128xf32, #tpu.memory_space<vmem>>, %arg10: memref<1x128xi32, #tpu.memory_space<vmem>>, %arg11: memref<1x128xi32, #tpu.memory_space<vmem>>, %arg12: memref<1x128xi32, #tpu.memory_space<vmem>>, %arg13: memref<!tpu.dma_semaphore, #tpu.memory_space<semaphore_mem>>, %arg14: memref<!tpu.dma_semaphore, #tpu.memory_space<semaphore_mem>>, %arg15: memref<!tpu.dma_semaphore, #tpu.memory_space<semaphore_mem>>, %arg16: memref<!tpu.dma_semaphore, #tpu.memory_space<semaphore_mem>>, %arg17: memref<!tpu.dma_semaphore, #tpu.memory_space<semaphore_mem>>, %arg18: memref<!tpu.dma_semaphore, #tpu.memory_space<semaphore_mem>>, %arg19: memref<!tpu.dma_semaphore, #tpu.memory_space<semaphore_mem>>, %arg20: memref<!tpu.dma_semaphore, #tpu.memory_space<semaphore_mem>>, %arg21: memref<!tpu.dma_semaphore, #tpu.memory_space<semaphore_mem>>) attributes {dimension_semantics = [#tpu.dimension_semantics<core_parallel>, #tpu.dimension_semantics<subcore_parallel>], iteration_bounds = array<i64: 2, 16>, scalar_prefetch = 0 : i64, scratch_operands = 16 : i64, tpu.core_type = #tpu.core_type<sc_vector_subcore>, window_params = [{transform_indices = #map}, {transform_indices = #map1}, {transform_indices = #map1}, {transform_indices = #map1}]} {
    %mul3A = arith.constant 2 : i32
    %mul3A_0 = arith.muli %arg1, %mul3A : i32
    %add3A = arith.addi %mul3A_0, %arg0 : i32
    %mul3A_1 = arith.constant 632 : i32
    %mul3A_2 = arith.muli %arg1, %mul3A_1 : i32
    "tpu.region"() ({
      %run_scoped3A = tpu.sem_alloc : memref<!tpu.dma_semaphore, #tpu.memory_space<semaphore_mem>>
      %dma_start3A_50 = arith.constant 0 : i32
      %dma_start3A_51 = tpu.memref_slice %arg6[%mul3A_2, %dma_start3A_50] : memref<10112x128xf32, #tpu.memory_space<vmem_shared>> -> memref<632x128xf32, #tpu.memory_space<vmem_shared>>
      %dma_start3A_52 = arith.constant 0 : i32
      %dma_start3A_53 = arith.constant 0 : i32
      %dma_start3A_54 = tpu.memref_slice %arg4[%arg0, %dma_start3A_52, %dma_start3A_53] : memref<2x10112x128xf32, #tpu.memory_space<hbm>> -> memref<1x10112x128xf32, #tpu.memory_space<hbm>>
      %dma_start3A_55 = tpu.memref_squeeze %dma_start3A_54 : memref<1x10112x128xf32, #tpu.memory_space<hbm>> -> memref<10112x128xf32, #tpu.memory_space<hbm>>
      %dma_start3A_56 = arith.constant 0 : i32
      %dma_start3A_57 = tpu.memref_slice %dma_start3A_55[%mul3A_2, %dma_start3A_56] : memref<10112x128xf32, #tpu.memory_space<hbm>> -> memref<632x128xf32, #tpu.memory_space<hbm>>
      tpu.enqueue_dma source(%dma_start3A_57 : memref<632x128xf32, #tpu.memory_space<hbm>>) target(%dma_start3A_51 : memref<632x128xf32, #tpu.memory_space<vmem_shared>>) target_semaphore(%run_scoped3A : memref<!tpu.dma_semaphore, #tpu.memory_space<semaphore_mem>>)
      %dma_wait3A_58 = arith.constant 0 : i32
      %dma_wait3A_59 = tpu.memref_slice %arg6[%mul3A_2, %dma_wait3A_58] : memref<10112x128xf32, #tpu.memory_space<vmem_shared>> -> memref<632x128xf32, #tpu.memory_space<vmem_shared>>
      %dma_wait3A_60 = arith.constant 0 : i32
      %dma_wait3A_61 = arith.constant 0 : i32
      %dma_wait3A_62 = tpu.memref_slice %arg4[%arg0, %dma_wait3A_60, %dma_wait3A_61] : memref<2x10112x128xf32, #tpu.memory_space<hbm>> -> memref<1x10112x128xf32, #tpu.memory_space<hbm>>
      %dma_wait3A_63 = tpu.memref_squeeze %dma_wait3A_62 : memref<1x10112x128xf32, #tpu.memory_space<hbm>> -> memref<10112x128xf32, #tpu.memory_space<hbm>>
      %dma_wait3A_64 = arith.constant 0 : i32
      %dma_wait3A_65 = tpu.memref_slice %dma_wait3A_63[%mul3A_2, %dma_wait3A_64] : memref<10112x128xf32, #tpu.memory_space<hbm>> -> memref<632x128xf32, #tpu.memory_space<hbm>>
      tpu.wait_dma2 semaphore(%run_scoped3A : memref<!tpu.dma_semaphore, #tpu.memory_space<semaphore_mem>>) src(%dma_wait3A_65 : memref<632x128xf32, #tpu.memory_space<hbm>>) dst(%dma_wait3A_59 : memref<632x128xf32, #tpu.memory_space<vmem_shared>>)
      tpu.yield
    }) : () -> ()
    %barrier3A = arith.constant 0 : index
    tpu.barrier barrier_id(%barrier3A)
    %mul3A_3 = arith.constant 102 : i32
    %mul3A_4 = arith.muli %add3A, %mul3A_3 : i32
    %min3A = arith.constant 3263 : i32
    %min3A_5 = arith.minsi %mul3A_4, %min3A : i32
    %min3A_6 = arith.constant 3249 : i32
    %min3A_7 = arith.minsi %min3A_5, %min3A_6 : i32
    %mul3A_8 = arith.constant 128 : i32
    %mul3A_9 = arith.muli %min3A_7, %mul3A_8 : i32
    %dma_start3A = arith.constant 0 : i32
    %dma_start3A_10 = tpu.memref_slice %arg2[%mul3A_9, %dma_start3A] : memref<416000x128xf32, #tpu.memory_space<hbm>> -> memref<128x128xf32, #tpu.memory_space<hbm>>
    %dma_start3A_11 = arith.constant 0 : i32
    %dma_start3A_12 = tpu.memref_slice %arg2[%mul3A_9, %dma_start3A_11] : memref<416000x128xf32, #tpu.memory_space<hbm>> -> memref<128x128xf32, #tpu.memory_space<hbm>>
    tpu.enqueue_dma source(%dma_start3A_12 : memref<128x128xf32, #tpu.memory_space<hbm>>) target(%arg7 : memref<128x128xf32, #tpu.memory_space<vmem>>) target_semaphore(%arg13 : memref<!tpu.dma_semaphore, #tpu.memory_space<semaphore_mem>>)
    %dma_start3A_13 = arith.constant 0 : i32
    %dma_start3A_14 = arith.constant 0 : i32
    %dma_start3A_15 = tpu.memref_slice %arg3[%min3A_5, %dma_start3A_13, %dma_start3A_14] : memref<3264x1x128xi32, #tpu.memory_space<hbm>> -> memref<1x1x128xi32, #tpu.memory_space<hbm>>
    %dma_start3A_16 = tpu.memref_squeeze %dma_start3A_15 : memref<1x1x128xi32, #tpu.memory_space<hbm>> -> memref<1x128xi32, #tpu.memory_space<hbm>>
    %dma_start3A_17 = arith.constant 0 : i32
    %dma_start3A_18 = arith.constant 0 : i32
    %dma_start3A_19 = tpu.memref_slice %arg3[%min3A_5, %dma_start3A_17, %dma_start3A_18] : memref<3264x1x128xi32, #tpu.memory_space<hbm>> -> memref<1x1x128xi32, #tpu.memory_space<hbm>>
    %dma_start3A_20 = tpu.memref_squeeze %dma_start3A_19 : memref<1x1x128xi32, #tpu.memory_space<hbm>> -> memref<1x128xi32, #tpu.memory_space<hbm>>
    tpu.enqueue_dma source(%dma_start3A_20 : memref<1x128xi32, #tpu.memory_space<hbm>>) target(%arg10 : memref<1x128xi32, #tpu.memory_space<vmem>>) target_semaphore(%arg16 : memref<!tpu.dma_semaphore, #tpu.memory_space<semaphore_mem>>)
    %scan3A = arith.constant 0 : i32
    %scan3A_21 = arith.constant 51 : i32
    %scan3A_22 = arith.addi %scan3A, %scan3A_21 : i32
    %scan3A_23 = arith.constant 1 : i32
    scf.for %scan3A_50 = %scan3A to %scan3A_22 step %scan3A_23  : i32 {
      %mul3A_51 = arith.constant 1 : i32
      %mul3A_52 = arith.muli %scan3A_50, %mul3A_51 : i32
      %add3A_53 = arith.constant 0 : i32
      %add3A_54 = arith.addi %add3A_53, %mul3A_52 : i32
      %mul3A_55 = arith.constant 2 : i32
      %mul3A_56 = arith.muli %mul3A_55, %add3A_54 : i32
      %add3A_57 = arith.addi %mul3A_4, %mul3A_56 : i32
      %min3A_58 = arith.constant 0 : i32
      %min3A_59 = arith.constant 3249 : i32
      %min3A_60 = arith.minsi %min3A_58, %min3A_59 : i32
      %mul3A_61 = arith.constant 128 : i32
      %mul3A_62 = arith.muli %min3A_60, %mul3A_61 : i32
      %dma_wait3A_63 = arith.constant 0 : i32
      %dma_wait3A_64 = tpu.memref_slice %arg2[%mul3A_62, %dma_wait3A_63] : memref<416000x128xf32, #tpu.memory_space<hbm>> -> memref<128x128xf32, #tpu.memory_space<hbm>>
      %dma_wait3A_65 = arith.constant 0 : i32
      %dma_wait3A_66 = tpu.memref_slice %arg2[%mul3A_62, %dma_wait3A_65] : memref<416000x128xf32, #tpu.memory_space<hbm>> -> memref<128x128xf32, #tpu.memory_space<hbm>>
      tpu.wait_dma2 semaphore(%arg13 : memref<!tpu.dma_semaphore, #tpu.memory_space<semaphore_mem>>) src(%dma_wait3A_66 : memref<128x128xf32, #tpu.memory_space<hbm>>) dst(%arg7 : memref<128x128xf32, #tpu.memory_space<vmem>>)
      %dma_wait3A_67 = arith.constant 0 : i32
      %dma_wait3A_68 = arith.constant 0 : i32
      %dma_wait3A_69 = arith.constant 0 : i32
      %dma_wait3A_70 = tpu.memref_slice %arg3[%dma_wait3A_67, %dma_wait3A_68, %dma_wait3A_69] : memref<3264x1x128xi32, #tpu.memory_space<hbm>> -> memref<1x1x128xi32, #tpu.memory_space<hbm>>
      %dma_wait3A_71 = tpu.memref_squeeze %dma_wait3A_70 : memref<1x1x128xi32, #tpu.memory_space<hbm>> -> memref<1x128xi32, #tpu.memory_space<hbm>>
      %dma_wait3A_72 = arith.constant 0 : i32
      %dma_wait3A_73 = arith.constant 0 : i32
      %dma_wait3A_74 = tpu.memref_slice %arg3[%dma_wait3A_67, %dma_wait3A_72, %dma_wait3A_73] : memref<3264x1x128xi32, #tpu.memory_space<hbm>> -> memref<1x1x128xi32, #tpu.memory_space<hbm>>
      %dma_wait3A_75 = tpu.memref_squeeze %dma_wait3A_74 : memref<1x1x128xi32, #tpu.memory_space<hbm>> -> memref<1x128xi32, #tpu.memory_space<hbm>>
      tpu.wait_dma2 semaphore(%arg16 : memref<!tpu.dma_semaphore, #tpu.memory_space<semaphore_mem>>) src(%dma_wait3A_75 : memref<1x128xi32, #tpu.memory_space<hbm>>) dst(%arg10 : memref<1x128xi32, #tpu.memory_space<vmem>>)
      %gt3A = arith.constant 0 : i32
      %gt3A_76 = arith.cmpi sgt, %add3A_54, %gt3A : i32
      %convert_element_type3A = arith.extui %gt3A_76 : i1 to i32
      %cond3A = arith.constant 0 : i32
      %cond3A_77 = arith.cmpi ne, %convert_element_type3A, %cond3A : i32
      scf.if %cond3A_77 {
        %dma_wait3A_157 = arith.constant 0 : i32
        %dma_wait3A_158 = arith.constant 0 : i32
        %dma_wait3A_159 = tpu.memref_slice %arg11[%dma_wait3A_157, %dma_wait3A_158] : memref<1x128xi32, #tpu.memory_space<vmem>> -> memref<1x128xi32, #tpu.memory_space<vmem>>
        %dma_wait3A_160 = tpu.memref_squeeze %dma_wait3A_159 : memref<1x128xi32, #tpu.memory_space<vmem>> -> memref<128xi32, #tpu.memory_space<vmem>>
        %dma_wait3A_161 = arith.constant 0 : i32
        %dma_wait3A_162 = arith.constant 0 : i32
        %dma_wait3A_163 = tpu.memref_slice %arg6[%dma_wait3A_161, %dma_wait3A_162] : memref<10112x128xf32, #tpu.memory_space<vmem_shared>> -> memref<10112x128xf32, #tpu.memory_space<vmem_shared>>
        tpu.wait_indirect_dma semaphore(%arg20 : memref<!tpu.dma_semaphore, #tpu.memory_space<semaphore_mem>>) src(%arg8 : memref<128x128xf32, #tpu.memory_space<vmem>>) dst(%dma_wait3A_163 : memref<10112x128xf32, #tpu.memory_space<vmem_shared>>)
      } else {
      }
      %add3A_78 = arith.constant 1 : i32
      %add3A_79 = arith.addi %add3A_57, %add3A_78 : i32
      %min3A_80 = arith.constant 3263 : i32
      %min3A_81 = arith.minsi %add3A_79, %min3A_80 : i32
      %min3A_82 = arith.constant 3249 : i32
      %min3A_83 = arith.minsi %min3A_81, %min3A_82 : i32
      %mul3A_84 = arith.constant 128 : i32
      %mul3A_85 = arith.muli %min3A_83, %mul3A_84 : i32
      %dma_start3A_86 = arith.constant 0 : i32
      %dma_start3A_87 = tpu.memref_slice %arg2[%mul3A_85, %dma_start3A_86] : memref<416000x128xf32, #tpu.memory_space<hbm>> -> memref<128x128xf32, #tpu.memory_space<hbm>>
      %dma_start3A_88 = arith.constant 0 : i32
      %dma_start3A_89 = tpu.memref_slice %arg2[%mul3A_85, %dma_start3A_88] : memref<416000x128xf32, #tpu.memory_space<hbm>> -> memref<128x128xf32, #tpu.memory_space<hbm>>
      tpu.enqueue_dma source(%dma_start3A_89 : memref<128x128xf32, #tpu.memory_space<hbm>>) target(%arg8 : memref<128x128xf32, #tpu.memory_space<vmem>>) target_semaphore(%arg14 : memref<!tpu.dma_semaphore, #tpu.memory_space<semaphore_mem>>)
      %dma_start3A_90 = arith.constant 0 : i32
      %dma_start3A_91 = arith.constant 0 : i32
      %dma_start3A_92 = tpu.memref_slice %arg3[%min3A_81, %dma_start3A_90, %dma_start3A_91] : memref<3264x1x128xi32, #tpu.memory_space<hbm>> -> memref<1x1x128xi32, #tpu.memory_space<hbm>>
      %dma_start3A_93 = tpu.memref_squeeze %dma_start3A_92 : memref<1x1x128xi32, #tpu.memory_space<hbm>> -> memref<1x128xi32, #tpu.memory_space<hbm>>
      %dma_start3A_94 = arith.constant 0 : i32
      %dma_start3A_95 = arith.constant 0 : i32
      %dma_start3A_96 = tpu.memref_slice %arg3[%min3A_81, %dma_start3A_94, %dma_start3A_95] : memref<3264x1x128xi32, #tpu.memory_space<hbm>> -> memref<1x1x128xi32, #tpu.memory_space<hbm>>
      %dma_start3A_97 = tpu.memref_squeeze %dma_start3A_96 : memref<1x1x128xi32, #tpu.memory_space<hbm>> -> memref<1x128xi32, #tpu.memory_space<hbm>>
      tpu.enqueue_dma source(%dma_start3A_97 : memref<1x128xi32, #tpu.memory_space<hbm>>) target(%arg11 : memref<1x128xi32, #tpu.memory_space<vmem>>) target_semaphore(%arg17 : memref<!tpu.dma_semaphore, #tpu.memory_space<semaphore_mem>>)
      %dma_start3A_98 = arith.constant 0 : i32
      %dma_start3A_99 = arith.constant 0 : i32
      %dma_start3A_100 = tpu.memref_slice %arg10[%dma_start3A_98, %dma_start3A_99] : memref<1x128xi32, #tpu.memory_space<vmem>> -> memref<1x128xi32, #tpu.memory_space<vmem>>
      %dma_start3A_101 = tpu.memref_squeeze %dma_start3A_100 : memref<1x128xi32, #tpu.memory_space<vmem>> -> memref<128xi32, #tpu.memory_space<vmem>>
      %dma_start3A_102 = arith.constant 0 : i32
      %dma_start3A_103 = arith.constant 0 : i32
      %dma_start3A_104 = tpu.memref_slice %arg6[%dma_start3A_102, %dma_start3A_103] : memref<10112x128xf32, #tpu.memory_space<vmem_shared>> -> memref<10112x128xf32, #tpu.memory_space<vmem_shared>>
      tpu.enqueue_indirect_dma source(%arg7 : memref<128x128xf32, #tpu.memory_space<vmem>>) target(%dma_start3A_104 : memref<10112x128xf32, #tpu.memory_space<vmem_shared>>) offsets(%dma_start3A_101 : memref<128xi32, #tpu.memory_space<vmem>>) semaphore(%arg19 : memref<!tpu.dma_semaphore, #tpu.memory_space<semaphore_mem>>) {add = true}
      %min3A_105 = arith.constant 0 : i32
      %min3A_106 = arith.constant 3249 : i32
      %min3A_107 = arith.minsi %min3A_105, %min3A_106 : i32
      %mul3A_108 = arith.constant 128 : i32
      %mul3A_109 = arith.muli %min3A_107, %mul3A_108 : i32
      %dma_wait3A_110 = arith.constant 0 : i32
      %dma_wait3A_111 = tpu.memref_slice %arg2[%mul3A_109, %dma_wait3A_110] : memref<416000x128xf32, #tpu.memory_space<hbm>> -> memref<128x128xf32, #tpu.memory_space<hbm>>
      %dma_wait3A_112 = arith.constant 0 : i32
      %dma_wait3A_113 = tpu.memref_slice %arg2[%mul3A_109, %dma_wait3A_112] : memref<416000x128xf32, #tpu.memory_space<hbm>> -> memref<128x128xf32, #tpu.memory_space<hbm>>
      tpu.wait_dma2 semaphore(%arg14 : memref<!tpu.dma_semaphore, #tpu.memory_space<semaphore_mem>>) src(%dma_wait3A_113 : memref<128x128xf32, #tpu.memory_space<hbm>>) dst(%arg8 : memref<128x128xf32, #tpu.memory_space<vmem>>)
      %dma_wait3A_114 = arith.constant 0 : i32
      %dma_wait3A_115 = arith.constant 0 : i32
      %dma_wait3A_116 = arith.constant 0 : i32
      %dma_wait3A_117 = tpu.memref_slice %arg3[%dma_wait3A_114, %dma_wait3A_115, %dma_wait3A_116] : memref<3264x1x128xi32, #tpu.memory_space<hbm>> -> memref<1x1x128xi32, #tpu.memory_space<hbm>>
      %dma_wait3A_118 = tpu.memref_squeeze %dma_wait3A_117 : memref<1x1x128xi32, #tpu.memory_space<hbm>> -> memref<1x128xi32, #tpu.memory_space<hbm>>
      %dma_wait3A_119 = arith.constant 0 : i32
      %dma_wait3A_120 = arith.constant 0 : i32
      %dma_wait3A_121 = tpu.memref_slice %arg3[%dma_wait3A_114, %dma_wait3A_119, %dma_wait3A_120] : memref<3264x1x128xi32, #tpu.memory_space<hbm>> -> memref<1x1x128xi32, #tpu.memory_space<hbm>>
      %dma_wait3A_122 = tpu.memref_squeeze %dma_wait3A_121 : memref<1x1x128xi32, #tpu.memory_space<hbm>> -> memref<1x128xi32, #tpu.memory_space<hbm>>
      tpu.wait_dma2 semaphore(%arg17 : memref<!tpu.dma_semaphore, #tpu.memory_space<semaphore_mem>>) src(%dma_wait3A_122 : memref<1x128xi32, #tpu.memory_space<hbm>>) dst(%arg11 : memref<1x128xi32, #tpu.memory_space<vmem>>)
      %dma_wait3A_123 = arith.constant 0 : i32
      %dma_wait3A_124 = arith.constant 0 : i32
      %dma_wait3A_125 = tpu.memref_slice %arg10[%dma_wait3A_123, %dma_wait3A_124] : memref<1x128xi32, #tpu.memory_space<vmem>> -> memref<1x128xi32, #tpu.memory_space<vmem>>
      %dma_wait3A_126 = tpu.memref_squeeze %dma_wait3A_125 : memref<1x128xi32, #tpu.memory_space<vmem>> -> memref<128xi32, #tpu.memory_space<vmem>>
      %dma_wait3A_127 = arith.constant 0 : i32
      %dma_wait3A_128 = arith.constant 0 : i32
      %dma_wait3A_129 = tpu.memref_slice %arg6[%dma_wait3A_127, %dma_wait3A_128] : memref<10112x128xf32, #tpu.memory_space<vmem_shared>> -> memref<10112x128xf32, #tpu.memory_space<vmem_shared>>
      tpu.wait_indirect_dma semaphore(%arg19 : memref<!tpu.dma_semaphore, #tpu.memory_space<semaphore_mem>>) src(%arg7 : memref<128x128xf32, #tpu.memory_space<vmem>>) dst(%dma_wait3A_129 : memref<10112x128xf32, #tpu.memory_space<vmem_shared>>)
      %add3A_130 = arith.constant 2 : i32
      %add3A_131 = arith.addi %add3A_57, %add3A_130 : i32
      %min3A_132 = arith.constant 3263 : i32
      %min3A_133 = arith.minsi %add3A_131, %min3A_132 : i32
      %min3A_134 = arith.constant 3249 : i32
      %min3A_135 = arith.minsi %min3A_133, %min3A_134 : i32
      %mul3A_136 = arith.constant 128 : i32
      %mul3A_137 = arith.muli %min3A_135, %mul3A_136 : i32
      %dma_start3A_138 = arith.constant 0 : i32
      %dma_start3A_139 = tpu.memref_slice %arg2[%mul3A_137, %dma_start3A_138] : memref<416000x128xf32, #tpu.memory_space<hbm>> -> memref<128x128xf32, #tpu.memory_space<hbm>>
      %dma_start3A_140 = arith.constant 0 : i32
      %dma_start3A_141 = tpu.memref_slice %arg2[%mul3A_137, %dma_start3A_140] : memref<416000x128xf32, #tpu.memory_space<hbm>> -> memref<128x128xf32, #tpu.memory_space<hbm>>
      tpu.enqueue_dma source(%dma_start3A_141 : memref<128x128xf32, #tpu.memory_space<hbm>>) target(%arg7 : memref<128x128xf32, #tpu.memory_space<vmem>>) target_semaphore(%arg13 : memref<!tpu.dma_semaphore, #tpu.memory_space<semaphore_mem>>)
      %dma_start3A_142 = arith.constant 0 : i32
      %dma_start3A_143 = arith.constant 0 : i32
      %dma_start3A_144 = tpu.memref_slice %arg3[%min3A_133, %dma_start3A_142, %dma_start3A_143] : memref<3264x1x128xi32, #tpu.memory_space<hbm>> -> memref<1x1x128xi32, #tpu.memory_space<hbm>>
      %dma_start3A_145 = tpu.memref_squeeze %dma_start3A_144 : memref<1x1x128xi32, #tpu.memory_space<hbm>> -> memref<1x128xi32, #tpu.memory_space<hbm>>
      %dma_start3A_146 = arith.constant 0 : i32
      %dma_start3A_147 = arith.constant 0 : i32
      %dma_start3A_148 = tpu.memref_slice %arg3[%min3A_133, %dma_start3A_146, %dma_start3A_147] : memref<3264x1x128xi32, #tpu.memory_space<hbm>> -> memref<1x1x128xi32, #tpu.memory_space<hbm>>
      %dma_start3A_149 = tpu.memref_squeeze %dma_start3A_148 : memref<1x1x128xi32, #tpu.memory_space<hbm>> -> memref<1x128xi32, #tpu.memory_space<hbm>>
      tpu.enqueue_dma source(%dma_start3A_149 : memref<1x128xi32, #tpu.memory_space<hbm>>) target(%arg10 : memref<1x128xi32, #tpu.memory_space<vmem>>) target_semaphore(%arg16 : memref<!tpu.dma_semaphore, #tpu.memory_space<semaphore_mem>>)
      %dma_start3A_150 = arith.constant 0 : i32
      %dma_start3A_151 = arith.constant 0 : i32
      %dma_start3A_152 = tpu.memref_slice %arg11[%dma_start3A_150, %dma_start3A_151] : memref<1x128xi32, #tpu.memory_space<vmem>> -> memref<1x128xi32, #tpu.memory_space<vmem>>
      %dma_start3A_153 = tpu.memref_squeeze %dma_start3A_152 : memref<1x128xi32, #tpu.memory_space<vmem>> -> memref<128xi32, #tpu.memory_space<vmem>>
      %dma_start3A_154 = arith.constant 0 : i32
      %dma_start3A_155 = arith.constant 0 : i32
      %dma_start3A_156 = tpu.memref_slice %arg6[%dma_start3A_154, %dma_start3A_155] : memref<10112x128xf32, #tpu.memory_space<vmem_shared>> -> memref<10112x128xf32, #tpu.memory_space<vmem_shared>>
      tpu.enqueue_indirect_dma source(%arg8 : memref<128x128xf32, #tpu.memory_space<vmem>>) target(%dma_start3A_156 : memref<10112x128xf32, #tpu.memory_space<vmem_shared>>) offsets(%dma_start3A_153 : memref<128xi32, #tpu.memory_space<vmem>>) semaphore(%arg20 : memref<!tpu.dma_semaphore, #tpu.memory_space<semaphore_mem>>) {add = true}
    }
    %scan3A_24 = arith.constant 51 : i32
    %dma_wait3A = arith.constant 0 : i32
    %dma_wait3A_25 = arith.constant 0 : i32
    %dma_wait3A_26 = tpu.memref_slice %arg11[%dma_wait3A, %dma_wait3A_25] : memref<1x128xi32, #tpu.memory_space<vmem>> -> memref<1x128xi32, #tpu.memory_space<vmem>>
    %dma_wait3A_27 = tpu.memref_squeeze %dma_wait3A_26 : memref<1x128xi32, #tpu.memory_space<vmem>> -> memref<128xi32, #tpu.memory_space<vmem>>
    %dma_wait3A_28 = arith.constant 0 : i32
    %dma_wait3A_29 = arith.constant 0 : i32
    %dma_wait3A_30 = tpu.memref_slice %arg6[%dma_wait3A_28, %dma_wait3A_29] : memref<10112x128xf32, #tpu.memory_space<vmem_shared>> -> memref<10112x128xf32, #tpu.memory_space<vmem_shared>>
    tpu.wait_indirect_dma semaphore(%arg20 : memref<!tpu.dma_semaphore, #tpu.memory_space<semaphore_mem>>) src(%arg8 : memref<128x128xf32, #tpu.memory_space<vmem>>) dst(%dma_wait3A_30 : memref<10112x128xf32, #tpu.memory_space<vmem_shared>>)
    %min3A_31 = arith.constant 0 : i32
    %min3A_32 = arith.constant 3249 : i32
    %min3A_33 = arith.minsi %min3A_31, %min3A_32 : i32
    %mul3A_34 = arith.constant 128 : i32
    %mul3A_35 = arith.muli %min3A_33, %mul3A_34 : i32
    %dma_wait3A_36 = arith.constant 0 : i32
    %dma_wait3A_37 = tpu.memref_slice %arg2[%mul3A_35, %dma_wait3A_36] : memref<416000x128xf32, #tpu.memory_space<hbm>> -> memref<128x128xf32, #tpu.memory_space<hbm>>
    %dma_wait3A_38 = arith.constant 0 : i32
    %dma_wait3A_39 = tpu.memref_slice %arg2[%mul3A_35, %dma_wait3A_38] : memref<416000x128xf32, #tpu.memory_space<hbm>> -> memref<128x128xf32, #tpu.memory_space<hbm>>
    tpu.wait_dma2 semaphore(%arg13 : memref<!tpu.dma_semaphore, #tpu.memory_space<semaphore_mem>>) src(%dma_wait3A_39 : memref<128x128xf32, #tpu.memory_space<hbm>>) dst(%arg7 : memref<128x128xf32, #tpu.memory_space<vmem>>)
    %dma_wait3A_40 = arith.constant 0 : i32
    %dma_wait3A_41 = arith.constant 0 : i32
    %dma_wait3A_42 = arith.constant 0 : i32
    %dma_wait3A_43 = tpu.memref_slice %arg3[%dma_wait3A_40, %dma_wait3A_41, %dma_wait3A_42] : memref<3264x1x128xi32, #tpu.memory_space<hbm>> -> memref<1x1x128xi32, #tpu.memory_space<hbm>>
    %dma_wait3A_44 = tpu.memref_squeeze %dma_wait3A_43 : memref<1x1x128xi32, #tpu.memory_space<hbm>> -> memref<1x128xi32, #tpu.memory_space<hbm>>
    %dma_wait3A_45 = arith.constant 0 : i32
    %dma_wait3A_46 = arith.constant 0 : i32
    %dma_wait3A_47 = tpu.memref_slice %arg3[%dma_wait3A_40, %dma_wait3A_45, %dma_wait3A_46] : memref<3264x1x128xi32, #tpu.memory_space<hbm>> -> memref<1x1x128xi32, #tpu.memory_space<hbm>>
    %dma_wait3A_48 = tpu.memref_squeeze %dma_wait3A_47 : memref<1x1x128xi32, #tpu.memory_space<hbm>> -> memref<1x128xi32, #tpu.memory_space<hbm>>
    tpu.wait_dma2 semaphore(%arg16 : memref<!tpu.dma_semaphore, #tpu.memory_space<semaphore_mem>>) src(%dma_wait3A_48 : memref<1x128xi32, #tpu.memory_space<hbm>>) dst(%arg10 : memref<1x128xi32, #tpu.memory_space<vmem>>)
    %barrier3A_49 = arith.constant 0 : index
    tpu.barrier barrier_id(%barrier3A_49)
    "tpu.region"() ({
      %run_scoped3A = tpu.sem_alloc : memref<!tpu.dma_semaphore, #tpu.memory_space<semaphore_mem>>
      %dma_start3A_50 = arith.constant 0 : i32
      %dma_start3A_51 = arith.constant 0 : i32
      %dma_start3A_52 = tpu.memref_slice %arg5[%arg0, %dma_start3A_50, %dma_start3A_51] : memref<2x10112x128xf32, #tpu.memory_space<hbm>> -> memref<1x10112x128xf32, #tpu.memory_space<hbm>>
      %dma_start3A_53 = tpu.memref_squeeze %dma_start3A_52 : memref<1x10112x128xf32, #tpu.memory_space<hbm>> -> memref<10112x128xf32, #tpu.memory_space<hbm>>
      %dma_start3A_54 = arith.constant 0 : i32
      %dma_start3A_55 = tpu.memref_slice %dma_start3A_53[%mul3A_2, %dma_start3A_54] : memref<10112x128xf32, #tpu.memory_space<hbm>> -> memref<632x128xf32, #tpu.memory_space<hbm>>
      %dma_start3A_56 = arith.constant 0 : i32
      %dma_start3A_57 = tpu.memref_slice %arg6[%mul3A_2, %dma_start3A_56] : memref<10112x128xf32, #tpu.memory_space<vmem_shared>> -> memref<632x128xf32, #tpu.memory_space<vmem_shared>>
      tpu.enqueue_dma source(%dma_start3A_57 : memref<632x128xf32, #tpu.memory_space<vmem_shared>>) target(%dma_start3A_55 : memref<632x128xf32, #tpu.memory_space<hbm>>) target_semaphore(%run_scoped3A : memref<!tpu.dma_semaphore, #tpu.memory_space<semaphore_mem>>)
      %dma_wait3A_58 = arith.constant 0 : i32
      %dma_wait3A_59 = arith.constant 0 : i32
      %dma_wait3A_60 = tpu.memref_slice %arg5[%arg0, %dma_wait3A_58, %dma_wait3A_59] : memref<2x10112x128xf32, #tpu.memory_space<hbm>> -> memref<1x10112x128xf32, #tpu.memory_space<hbm>>
      %dma_wait3A_61 = tpu.memref_squeeze %dma_wait3A_60 : memref<1x10112x128xf32, #tpu.memory_space<hbm>> -> memref<10112x128xf32, #tpu.memory_space<hbm>>
      %dma_wait3A_62 = arith.constant 0 : i32
      %dma_wait3A_63 = tpu.memref_slice %dma_wait3A_61[%mul3A_2, %dma_wait3A_62] : memref<10112x128xf32, #tpu.memory_space<hbm>> -> memref<632x128xf32, #tpu.memory_space<hbm>>
      %dma_wait3A_64 = arith.constant 0 : i32
      %dma_wait3A_65 = tpu.memref_slice %arg6[%mul3A_2, %dma_wait3A_64] : memref<10112x128xf32, #tpu.memory_space<vmem_shared>> -> memref<632x128xf32, #tpu.memory_space<vmem_shared>>
      tpu.wait_dma2 semaphore(%run_scoped3A : memref<!tpu.dma_semaphore, #tpu.memory_space<semaphore_mem>>) src(%dma_wait3A_65 : memref<632x128xf32, #tpu.memory_space<vmem_shared>>) dst(%dma_wait3A_63 : memref<632x128xf32, #tpu.memory_space<hbm>>)
      tpu.yield
    }) : () -> ()
    return
  }
}

#map = affine_map<(d0, d1) -> (0, 0)>
#map1 = affine_map<(d0, d1) -> (0, 0, 0)>
module attributes {stable_mosaic.version = 14 : i64} {
  func.func @scatter_kernel(%arg0: i32, %arg1: i32, %arg2: memref<224000x128xf32, #tpu.memory_space<hbm>>, %arg3: memref<1792x1x128xi32, #tpu.memory_space<hbm>>, %arg4: memref<2x10112x128xf32, #tpu.memory_space<hbm>>, %arg5: memref<2x10112x128xf32, #tpu.memory_space<hbm>>, %arg6: memref<10112x128xf32, #tpu.memory_space<vmem_shared>>, %arg7: memref<128x128xf32, #tpu.memory_space<vmem>>, %arg8: memref<128x128xf32, #tpu.memory_space<vmem>>, %arg9: memref<128x128xf32, #tpu.memory_space<vmem>>, %arg10: memref<1x128xi32, #tpu.memory_space<vmem>>, %arg11: memref<1x128xi32, #tpu.memory_space<vmem>>, %arg12: memref<1x128xi32, #tpu.memory_space<vmem>>, %arg13: memref<!tpu.dma_semaphore, #tpu.memory_space<semaphore_mem>>, %arg14: memref<!tpu.dma_semaphore, #tpu.memory_space<semaphore_mem>>, %arg15: memref<!tpu.dma_semaphore, #tpu.memory_space<semaphore_mem>>, %arg16: memref<!tpu.dma_semaphore, #tpu.memory_space<semaphore_mem>>, %arg17: memref<!tpu.dma_semaphore, #tpu.memory_space<semaphore_mem>>, %arg18: memref<!tpu.dma_semaphore, #tpu.memory_space<semaphore_mem>>, %arg19: memref<!tpu.dma_semaphore, #tpu.memory_space<semaphore_mem>>, %arg20: memref<!tpu.dma_semaphore, #tpu.memory_space<semaphore_mem>>, %arg21: memref<!tpu.dma_semaphore, #tpu.memory_space<semaphore_mem>>) attributes {dimension_semantics = [#tpu.dimension_semantics<core_parallel>, #tpu.dimension_semantics<subcore_parallel>], iteration_bounds = array<i64: 2, 16>, scalar_prefetch = 0 : i64, scratch_operands = 16 : i64, tpu.core_type = #tpu.core_type<sc_vector_subcore>, window_params = [{transform_indices = #map}, {transform_indices = #map1}, {transform_indices = #map1}, {transform_indices = #map1}]} {
    %mul3A = arith.constant 2 : i32
    %mul3A_0 = arith.muli %arg1, %mul3A : i32
    %add3A = arith.addi %mul3A_0, %arg0 : i32
    %mul3A_1 = arith.constant 632 : i32
    %mul3A_2 = arith.muli %arg1, %mul3A_1 : i32
    "tpu.region"() ({
      %run_scoped3A = tpu.sem_alloc : memref<!tpu.dma_semaphore, #tpu.memory_space<semaphore_mem>>
      %dma_start3A_50 = arith.constant 0 : i32
      %dma_start3A_51 = tpu.memref_slice %arg6[%mul3A_2, %dma_start3A_50] : memref<10112x128xf32, #tpu.memory_space<vmem_shared>> -> memref<632x128xf32, #tpu.memory_space<vmem_shared>>
      %dma_start3A_52 = arith.constant 0 : i32
      %dma_start3A_53 = arith.constant 0 : i32
      %dma_start3A_54 = tpu.memref_slice %arg4[%arg0, %dma_start3A_52, %dma_start3A_53] : memref<2x10112x128xf32, #tpu.memory_space<hbm>> -> memref<1x10112x128xf32, #tpu.memory_space<hbm>>
      %dma_start3A_55 = tpu.memref_squeeze %dma_start3A_54 : memref<1x10112x128xf32, #tpu.memory_space<hbm>> -> memref<10112x128xf32, #tpu.memory_space<hbm>>
      %dma_start3A_56 = arith.constant 0 : i32
      %dma_start3A_57 = tpu.memref_slice %dma_start3A_55[%mul3A_2, %dma_start3A_56] : memref<10112x128xf32, #tpu.memory_space<hbm>> -> memref<632x128xf32, #tpu.memory_space<hbm>>
      tpu.enqueue_dma source(%dma_start3A_57 : memref<632x128xf32, #tpu.memory_space<hbm>>) target(%dma_start3A_51 : memref<632x128xf32, #tpu.memory_space<vmem_shared>>) target_semaphore(%run_scoped3A : memref<!tpu.dma_semaphore, #tpu.memory_space<semaphore_mem>>)
      %dma_wait3A_58 = arith.constant 0 : i32
      %dma_wait3A_59 = tpu.memref_slice %arg6[%mul3A_2, %dma_wait3A_58] : memref<10112x128xf32, #tpu.memory_space<vmem_shared>> -> memref<632x128xf32, #tpu.memory_space<vmem_shared>>
      %dma_wait3A_60 = arith.constant 0 : i32
      %dma_wait3A_61 = arith.constant 0 : i32
      %dma_wait3A_62 = tpu.memref_slice %arg4[%arg0, %dma_wait3A_60, %dma_wait3A_61] : memref<2x10112x128xf32, #tpu.memory_space<hbm>> -> memref<1x10112x128xf32, #tpu.memory_space<hbm>>
      %dma_wait3A_63 = tpu.memref_squeeze %dma_wait3A_62 : memref<1x10112x128xf32, #tpu.memory_space<hbm>> -> memref<10112x128xf32, #tpu.memory_space<hbm>>
      %dma_wait3A_64 = arith.constant 0 : i32
      %dma_wait3A_65 = tpu.memref_slice %dma_wait3A_63[%mul3A_2, %dma_wait3A_64] : memref<10112x128xf32, #tpu.memory_space<hbm>> -> memref<632x128xf32, #tpu.memory_space<hbm>>
      tpu.wait_dma2 semaphore(%run_scoped3A : memref<!tpu.dma_semaphore, #tpu.memory_space<semaphore_mem>>) src(%dma_wait3A_65 : memref<632x128xf32, #tpu.memory_space<hbm>>) dst(%dma_wait3A_59 : memref<632x128xf32, #tpu.memory_space<vmem_shared>>)
      tpu.yield
    }) : () -> ()
    %barrier3A = arith.constant 0 : index
    tpu.barrier barrier_id(%barrier3A)
    %mul3A_3 = arith.constant 56 : i32
    %mul3A_4 = arith.muli %add3A, %mul3A_3 : i32
    %min3A = arith.constant 1791 : i32
    %min3A_5 = arith.minsi %mul3A_4, %min3A : i32
    %min3A_6 = arith.constant 1749 : i32
    %min3A_7 = arith.minsi %min3A_5, %min3A_6 : i32
    %mul3A_8 = arith.constant 128 : i32
    %mul3A_9 = arith.muli %min3A_7, %mul3A_8 : i32
    %dma_start3A = arith.constant 0 : i32
    %dma_start3A_10 = tpu.memref_slice %arg2[%mul3A_9, %dma_start3A] : memref<224000x128xf32, #tpu.memory_space<hbm>> -> memref<128x128xf32, #tpu.memory_space<hbm>>
    %dma_start3A_11 = arith.constant 0 : i32
    %dma_start3A_12 = tpu.memref_slice %arg2[%mul3A_9, %dma_start3A_11] : memref<224000x128xf32, #tpu.memory_space<hbm>> -> memref<128x128xf32, #tpu.memory_space<hbm>>
    tpu.enqueue_dma source(%dma_start3A_12 : memref<128x128xf32, #tpu.memory_space<hbm>>) target(%arg7 : memref<128x128xf32, #tpu.memory_space<vmem>>) target_semaphore(%arg13 : memref<!tpu.dma_semaphore, #tpu.memory_space<semaphore_mem>>)
    %dma_start3A_13 = arith.constant 0 : i32
    %dma_start3A_14 = arith.constant 0 : i32
    %dma_start3A_15 = tpu.memref_slice %arg3[%min3A_5, %dma_start3A_13, %dma_start3A_14] : memref<1792x1x128xi32, #tpu.memory_space<hbm>> -> memref<1x1x128xi32, #tpu.memory_space<hbm>>
    %dma_start3A_16 = tpu.memref_squeeze %dma_start3A_15 : memref<1x1x128xi32, #tpu.memory_space<hbm>> -> memref<1x128xi32, #tpu.memory_space<hbm>>
    %dma_start3A_17 = arith.constant 0 : i32
    %dma_start3A_18 = arith.constant 0 : i32
    %dma_start3A_19 = tpu.memref_slice %arg3[%min3A_5, %dma_start3A_17, %dma_start3A_18] : memref<1792x1x128xi32, #tpu.memory_space<hbm>> -> memref<1x1x128xi32, #tpu.memory_space<hbm>>
    %dma_start3A_20 = tpu.memref_squeeze %dma_start3A_19 : memref<1x1x128xi32, #tpu.memory_space<hbm>> -> memref<1x128xi32, #tpu.memory_space<hbm>>
    tpu.enqueue_dma source(%dma_start3A_20 : memref<1x128xi32, #tpu.memory_space<hbm>>) target(%arg10 : memref<1x128xi32, #tpu.memory_space<vmem>>) target_semaphore(%arg16 : memref<!tpu.dma_semaphore, #tpu.memory_space<semaphore_mem>>)
    %scan3A = arith.constant 0 : i32
    %scan3A_21 = arith.constant 28 : i32
    %scan3A_22 = arith.addi %scan3A, %scan3A_21 : i32
    %scan3A_23 = arith.constant 1 : i32
    scf.for %scan3A_50 = %scan3A to %scan3A_22 step %scan3A_23  : i32 {
      %mul3A_51 = arith.constant 1 : i32
      %mul3A_52 = arith.muli %scan3A_50, %mul3A_51 : i32
      %add3A_53 = arith.constant 0 : i32
      %add3A_54 = arith.addi %add3A_53, %mul3A_52 : i32
      %mul3A_55 = arith.constant 2 : i32
      %mul3A_56 = arith.muli %mul3A_55, %add3A_54 : i32
      %add3A_57 = arith.addi %mul3A_4, %mul3A_56 : i32
      %min3A_58 = arith.constant 0 : i32
      %min3A_59 = arith.constant 1749 : i32
      %min3A_60 = arith.minsi %min3A_58, %min3A_59 : i32
      %mul3A_61 = arith.constant 128 : i32
      %mul3A_62 = arith.muli %min3A_60, %mul3A_61 : i32
      %dma_wait3A_63 = arith.constant 0 : i32
      %dma_wait3A_64 = tpu.memref_slice %arg2[%mul3A_62, %dma_wait3A_63] : memref<224000x128xf32, #tpu.memory_space<hbm>> -> memref<128x128xf32, #tpu.memory_space<hbm>>
      %dma_wait3A_65 = arith.constant 0 : i32
      %dma_wait3A_66 = tpu.memref_slice %arg2[%mul3A_62, %dma_wait3A_65] : memref<224000x128xf32, #tpu.memory_space<hbm>> -> memref<128x128xf32, #tpu.memory_space<hbm>>
      tpu.wait_dma2 semaphore(%arg13 : memref<!tpu.dma_semaphore, #tpu.memory_space<semaphore_mem>>) src(%dma_wait3A_66 : memref<128x128xf32, #tpu.memory_space<hbm>>) dst(%arg7 : memref<128x128xf32, #tpu.memory_space<vmem>>)
      %dma_wait3A_67 = arith.constant 0 : i32
      %dma_wait3A_68 = arith.constant 0 : i32
      %dma_wait3A_69 = arith.constant 0 : i32
      %dma_wait3A_70 = tpu.memref_slice %arg3[%dma_wait3A_67, %dma_wait3A_68, %dma_wait3A_69] : memref<1792x1x128xi32, #tpu.memory_space<hbm>> -> memref<1x1x128xi32, #tpu.memory_space<hbm>>
      %dma_wait3A_71 = tpu.memref_squeeze %dma_wait3A_70 : memref<1x1x128xi32, #tpu.memory_space<hbm>> -> memref<1x128xi32, #tpu.memory_space<hbm>>
      %dma_wait3A_72 = arith.constant 0 : i32
      %dma_wait3A_73 = arith.constant 0 : i32
      %dma_wait3A_74 = tpu.memref_slice %arg3[%dma_wait3A_67, %dma_wait3A_72, %dma_wait3A_73] : memref<1792x1x128xi32, #tpu.memory_space<hbm>> -> memref<1x1x128xi32, #tpu.memory_space<hbm>>
      %dma_wait3A_75 = tpu.memref_squeeze %dma_wait3A_74 : memref<1x1x128xi32, #tpu.memory_space<hbm>> -> memref<1x128xi32, #tpu.memory_space<hbm>>
      tpu.wait_dma2 semaphore(%arg16 : memref<!tpu.dma_semaphore, #tpu.memory_space<semaphore_mem>>) src(%dma_wait3A_75 : memref<1x128xi32, #tpu.memory_space<hbm>>) dst(%arg10 : memref<1x128xi32, #tpu.memory_space<vmem>>)
      %gt3A = arith.constant 0 : i32
      %gt3A_76 = arith.cmpi sgt, %add3A_54, %gt3A : i32
      %convert_element_type3A = arith.extui %gt3A_76 : i1 to i32
      %cond3A = arith.constant 0 : i32
      %cond3A_77 = arith.cmpi ne, %convert_element_type3A, %cond3A : i32
      scf.if %cond3A_77 {
        %dma_wait3A_157 = arith.constant 0 : i32
        %dma_wait3A_158 = arith.constant 0 : i32
        %dma_wait3A_159 = tpu.memref_slice %arg11[%dma_wait3A_157, %dma_wait3A_158] : memref<1x128xi32, #tpu.memory_space<vmem>> -> memref<1x128xi32, #tpu.memory_space<vmem>>
        %dma_wait3A_160 = tpu.memref_squeeze %dma_wait3A_159 : memref<1x128xi32, #tpu.memory_space<vmem>> -> memref<128xi32, #tpu.memory_space<vmem>>
        %dma_wait3A_161 = arith.constant 0 : i32
        %dma_wait3A_162 = arith.constant 0 : i32
        %dma_wait3A_163 = tpu.memref_slice %arg6[%dma_wait3A_161, %dma_wait3A_162] : memref<10112x128xf32, #tpu.memory_space<vmem_shared>> -> memref<10112x128xf32, #tpu.memory_space<vmem_shared>>
        tpu.wait_indirect_dma semaphore(%arg20 : memref<!tpu.dma_semaphore, #tpu.memory_space<semaphore_mem>>) src(%arg8 : memref<128x128xf32, #tpu.memory_space<vmem>>) dst(%dma_wait3A_163 : memref<10112x128xf32, #tpu.memory_space<vmem_shared>>)
      } else {
      }
      %add3A_78 = arith.constant 1 : i32
      %add3A_79 = arith.addi %add3A_57, %add3A_78 : i32
      %min3A_80 = arith.constant 1791 : i32
      %min3A_81 = arith.minsi %add3A_79, %min3A_80 : i32
      %min3A_82 = arith.constant 1749 : i32
      %min3A_83 = arith.minsi %min3A_81, %min3A_82 : i32
      %mul3A_84 = arith.constant 128 : i32
      %mul3A_85 = arith.muli %min3A_83, %mul3A_84 : i32
      %dma_start3A_86 = arith.constant 0 : i32
      %dma_start3A_87 = tpu.memref_slice %arg2[%mul3A_85, %dma_start3A_86] : memref<224000x128xf32, #tpu.memory_space<hbm>> -> memref<128x128xf32, #tpu.memory_space<hbm>>
      %dma_start3A_88 = arith.constant 0 : i32
      %dma_start3A_89 = tpu.memref_slice %arg2[%mul3A_85, %dma_start3A_88] : memref<224000x128xf32, #tpu.memory_space<hbm>> -> memref<128x128xf32, #tpu.memory_space<hbm>>
      tpu.enqueue_dma source(%dma_start3A_89 : memref<128x128xf32, #tpu.memory_space<hbm>>) target(%arg8 : memref<128x128xf32, #tpu.memory_space<vmem>>) target_semaphore(%arg14 : memref<!tpu.dma_semaphore, #tpu.memory_space<semaphore_mem>>)
      %dma_start3A_90 = arith.constant 0 : i32
      %dma_start3A_91 = arith.constant 0 : i32
      %dma_start3A_92 = tpu.memref_slice %arg3[%min3A_81, %dma_start3A_90, %dma_start3A_91] : memref<1792x1x128xi32, #tpu.memory_space<hbm>> -> memref<1x1x128xi32, #tpu.memory_space<hbm>>
      %dma_start3A_93 = tpu.memref_squeeze %dma_start3A_92 : memref<1x1x128xi32, #tpu.memory_space<hbm>> -> memref<1x128xi32, #tpu.memory_space<hbm>>
      %dma_start3A_94 = arith.constant 0 : i32
      %dma_start3A_95 = arith.constant 0 : i32
      %dma_start3A_96 = tpu.memref_slice %arg3[%min3A_81, %dma_start3A_94, %dma_start3A_95] : memref<1792x1x128xi32, #tpu.memory_space<hbm>> -> memref<1x1x128xi32, #tpu.memory_space<hbm>>
      %dma_start3A_97 = tpu.memref_squeeze %dma_start3A_96 : memref<1x1x128xi32, #tpu.memory_space<hbm>> -> memref<1x128xi32, #tpu.memory_space<hbm>>
      tpu.enqueue_dma source(%dma_start3A_97 : memref<1x128xi32, #tpu.memory_space<hbm>>) target(%arg11 : memref<1x128xi32, #tpu.memory_space<vmem>>) target_semaphore(%arg17 : memref<!tpu.dma_semaphore, #tpu.memory_space<semaphore_mem>>)
      %dma_start3A_98 = arith.constant 0 : i32
      %dma_start3A_99 = arith.constant 0 : i32
      %dma_start3A_100 = tpu.memref_slice %arg10[%dma_start3A_98, %dma_start3A_99] : memref<1x128xi32, #tpu.memory_space<vmem>> -> memref<1x128xi32, #tpu.memory_space<vmem>>
      %dma_start3A_101 = tpu.memref_squeeze %dma_start3A_100 : memref<1x128xi32, #tpu.memory_space<vmem>> -> memref<128xi32, #tpu.memory_space<vmem>>
      %dma_start3A_102 = arith.constant 0 : i32
      %dma_start3A_103 = arith.constant 0 : i32
      %dma_start3A_104 = tpu.memref_slice %arg6[%dma_start3A_102, %dma_start3A_103] : memref<10112x128xf32, #tpu.memory_space<vmem_shared>> -> memref<10112x128xf32, #tpu.memory_space<vmem_shared>>
      tpu.enqueue_indirect_dma source(%arg7 : memref<128x128xf32, #tpu.memory_space<vmem>>) target(%dma_start3A_104 : memref<10112x128xf32, #tpu.memory_space<vmem_shared>>) offsets(%dma_start3A_101 : memref<128xi32, #tpu.memory_space<vmem>>) semaphore(%arg19 : memref<!tpu.dma_semaphore, #tpu.memory_space<semaphore_mem>>) {add = true}
      %min3A_105 = arith.constant 0 : i32
      %min3A_106 = arith.constant 1749 : i32
      %min3A_107 = arith.minsi %min3A_105, %min3A_106 : i32
      %mul3A_108 = arith.constant 128 : i32
      %mul3A_109 = arith.muli %min3A_107, %mul3A_108 : i32
      %dma_wait3A_110 = arith.constant 0 : i32
      %dma_wait3A_111 = tpu.memref_slice %arg2[%mul3A_109, %dma_wait3A_110] : memref<224000x128xf32, #tpu.memory_space<hbm>> -> memref<128x128xf32, #tpu.memory_space<hbm>>
      %dma_wait3A_112 = arith.constant 0 : i32
      %dma_wait3A_113 = tpu.memref_slice %arg2[%mul3A_109, %dma_wait3A_112] : memref<224000x128xf32, #tpu.memory_space<hbm>> -> memref<128x128xf32, #tpu.memory_space<hbm>>
      tpu.wait_dma2 semaphore(%arg14 : memref<!tpu.dma_semaphore, #tpu.memory_space<semaphore_mem>>) src(%dma_wait3A_113 : memref<128x128xf32, #tpu.memory_space<hbm>>) dst(%arg8 : memref<128x128xf32, #tpu.memory_space<vmem>>)
      %dma_wait3A_114 = arith.constant 0 : i32
      %dma_wait3A_115 = arith.constant 0 : i32
      %dma_wait3A_116 = arith.constant 0 : i32
      %dma_wait3A_117 = tpu.memref_slice %arg3[%dma_wait3A_114, %dma_wait3A_115, %dma_wait3A_116] : memref<1792x1x128xi32, #tpu.memory_space<hbm>> -> memref<1x1x128xi32, #tpu.memory_space<hbm>>
      %dma_wait3A_118 = tpu.memref_squeeze %dma_wait3A_117 : memref<1x1x128xi32, #tpu.memory_space<hbm>> -> memref<1x128xi32, #tpu.memory_space<hbm>>
      %dma_wait3A_119 = arith.constant 0 : i32
      %dma_wait3A_120 = arith.constant 0 : i32
      %dma_wait3A_121 = tpu.memref_slice %arg3[%dma_wait3A_114, %dma_wait3A_119, %dma_wait3A_120] : memref<1792x1x128xi32, #tpu.memory_space<hbm>> -> memref<1x1x128xi32, #tpu.memory_space<hbm>>
      %dma_wait3A_122 = tpu.memref_squeeze %dma_wait3A_121 : memref<1x1x128xi32, #tpu.memory_space<hbm>> -> memref<1x128xi32, #tpu.memory_space<hbm>>
      tpu.wait_dma2 semaphore(%arg17 : memref<!tpu.dma_semaphore, #tpu.memory_space<semaphore_mem>>) src(%dma_wait3A_122 : memref<1x128xi32, #tpu.memory_space<hbm>>) dst(%arg11 : memref<1x128xi32, #tpu.memory_space<vmem>>)
      %dma_wait3A_123 = arith.constant 0 : i32
      %dma_wait3A_124 = arith.constant 0 : i32
      %dma_wait3A_125 = tpu.memref_slice %arg10[%dma_wait3A_123, %dma_wait3A_124] : memref<1x128xi32, #tpu.memory_space<vmem>> -> memref<1x128xi32, #tpu.memory_space<vmem>>
      %dma_wait3A_126 = tpu.memref_squeeze %dma_wait3A_125 : memref<1x128xi32, #tpu.memory_space<vmem>> -> memref<128xi32, #tpu.memory_space<vmem>>
      %dma_wait3A_127 = arith.constant 0 : i32
      %dma_wait3A_128 = arith.constant 0 : i32
      %dma_wait3A_129 = tpu.memref_slice %arg6[%dma_wait3A_127, %dma_wait3A_128] : memref<10112x128xf32, #tpu.memory_space<vmem_shared>> -> memref<10112x128xf32, #tpu.memory_space<vmem_shared>>
      tpu.wait_indirect_dma semaphore(%arg19 : memref<!tpu.dma_semaphore, #tpu.memory_space<semaphore_mem>>) src(%arg7 : memref<128x128xf32, #tpu.memory_space<vmem>>) dst(%dma_wait3A_129 : memref<10112x128xf32, #tpu.memory_space<vmem_shared>>)
      %add3A_130 = arith.constant 2 : i32
      %add3A_131 = arith.addi %add3A_57, %add3A_130 : i32
      %min3A_132 = arith.constant 1791 : i32
      %min3A_133 = arith.minsi %add3A_131, %min3A_132 : i32
      %min3A_134 = arith.constant 1749 : i32
      %min3A_135 = arith.minsi %min3A_133, %min3A_134 : i32
      %mul3A_136 = arith.constant 128 : i32
      %mul3A_137 = arith.muli %min3A_135, %mul3A_136 : i32
      %dma_start3A_138 = arith.constant 0 : i32
      %dma_start3A_139 = tpu.memref_slice %arg2[%mul3A_137, %dma_start3A_138] : memref<224000x128xf32, #tpu.memory_space<hbm>> -> memref<128x128xf32, #tpu.memory_space<hbm>>
      %dma_start3A_140 = arith.constant 0 : i32
      %dma_start3A_141 = tpu.memref_slice %arg2[%mul3A_137, %dma_start3A_140] : memref<224000x128xf32, #tpu.memory_space<hbm>> -> memref<128x128xf32, #tpu.memory_space<hbm>>
      tpu.enqueue_dma source(%dma_start3A_141 : memref<128x128xf32, #tpu.memory_space<hbm>>) target(%arg7 : memref<128x128xf32, #tpu.memory_space<vmem>>) target_semaphore(%arg13 : memref<!tpu.dma_semaphore, #tpu.memory_space<semaphore_mem>>)
      %dma_start3A_142 = arith.constant 0 : i32
      %dma_start3A_143 = arith.constant 0 : i32
      %dma_start3A_144 = tpu.memref_slice %arg3[%min3A_133, %dma_start3A_142, %dma_start3A_143] : memref<1792x1x128xi32, #tpu.memory_space<hbm>> -> memref<1x1x128xi32, #tpu.memory_space<hbm>>
      %dma_start3A_145 = tpu.memref_squeeze %dma_start3A_144 : memref<1x1x128xi32, #tpu.memory_space<hbm>> -> memref<1x128xi32, #tpu.memory_space<hbm>>
      %dma_start3A_146 = arith.constant 0 : i32
      %dma_start3A_147 = arith.constant 0 : i32
      %dma_start3A_148 = tpu.memref_slice %arg3[%min3A_133, %dma_start3A_146, %dma_start3A_147] : memref<1792x1x128xi32, #tpu.memory_space<hbm>> -> memref<1x1x128xi32, #tpu.memory_space<hbm>>
      %dma_start3A_149 = tpu.memref_squeeze %dma_start3A_148 : memref<1x1x128xi32, #tpu.memory_space<hbm>> -> memref<1x128xi32, #tpu.memory_space<hbm>>
      tpu.enqueue_dma source(%dma_start3A_149 : memref<1x128xi32, #tpu.memory_space<hbm>>) target(%arg10 : memref<1x128xi32, #tpu.memory_space<vmem>>) target_semaphore(%arg16 : memref<!tpu.dma_semaphore, #tpu.memory_space<semaphore_mem>>)
      %dma_start3A_150 = arith.constant 0 : i32
      %dma_start3A_151 = arith.constant 0 : i32
      %dma_start3A_152 = tpu.memref_slice %arg11[%dma_start3A_150, %dma_start3A_151] : memref<1x128xi32, #tpu.memory_space<vmem>> -> memref<1x128xi32, #tpu.memory_space<vmem>>
      %dma_start3A_153 = tpu.memref_squeeze %dma_start3A_152 : memref<1x128xi32, #tpu.memory_space<vmem>> -> memref<128xi32, #tpu.memory_space<vmem>>
      %dma_start3A_154 = arith.constant 0 : i32
      %dma_start3A_155 = arith.constant 0 : i32
      %dma_start3A_156 = tpu.memref_slice %arg6[%dma_start3A_154, %dma_start3A_155] : memref<10112x128xf32, #tpu.memory_space<vmem_shared>> -> memref<10112x128xf32, #tpu.memory_space<vmem_shared>>
      tpu.enqueue_indirect_dma source(%arg8 : memref<128x128xf32, #tpu.memory_space<vmem>>) target(%dma_start3A_156 : memref<10112x128xf32, #tpu.memory_space<vmem_shared>>) offsets(%dma_start3A_153 : memref<128xi32, #tpu.memory_space<vmem>>) semaphore(%arg20 : memref<!tpu.dma_semaphore, #tpu.memory_space<semaphore_mem>>) {add = true}
    }
    %scan3A_24 = arith.constant 28 : i32
    %dma_wait3A = arith.constant 0 : i32
    %dma_wait3A_25 = arith.constant 0 : i32
    %dma_wait3A_26 = tpu.memref_slice %arg11[%dma_wait3A, %dma_wait3A_25] : memref<1x128xi32, #tpu.memory_space<vmem>> -> memref<1x128xi32, #tpu.memory_space<vmem>>
    %dma_wait3A_27 = tpu.memref_squeeze %dma_wait3A_26 : memref<1x128xi32, #tpu.memory_space<vmem>> -> memref<128xi32, #tpu.memory_space<vmem>>
    %dma_wait3A_28 = arith.constant 0 : i32
    %dma_wait3A_29 = arith.constant 0 : i32
    %dma_wait3A_30 = tpu.memref_slice %arg6[%dma_wait3A_28, %dma_wait3A_29] : memref<10112x128xf32, #tpu.memory_space<vmem_shared>> -> memref<10112x128xf32, #tpu.memory_space<vmem_shared>>
    tpu.wait_indirect_dma semaphore(%arg20 : memref<!tpu.dma_semaphore, #tpu.memory_space<semaphore_mem>>) src(%arg8 : memref<128x128xf32, #tpu.memory_space<vmem>>) dst(%dma_wait3A_30 : memref<10112x128xf32, #tpu.memory_space<vmem_shared>>)
    %min3A_31 = arith.constant 0 : i32
    %min3A_32 = arith.constant 1749 : i32
    %min3A_33 = arith.minsi %min3A_31, %min3A_32 : i32
    %mul3A_34 = arith.constant 128 : i32
    %mul3A_35 = arith.muli %min3A_33, %mul3A_34 : i32
    %dma_wait3A_36 = arith.constant 0 : i32
    %dma_wait3A_37 = tpu.memref_slice %arg2[%mul3A_35, %dma_wait3A_36] : memref<224000x128xf32, #tpu.memory_space<hbm>> -> memref<128x128xf32, #tpu.memory_space<hbm>>
    %dma_wait3A_38 = arith.constant 0 : i32
    %dma_wait3A_39 = tpu.memref_slice %arg2[%mul3A_35, %dma_wait3A_38] : memref<224000x128xf32, #tpu.memory_space<hbm>> -> memref<128x128xf32, #tpu.memory_space<hbm>>
    tpu.wait_dma2 semaphore(%arg13 : memref<!tpu.dma_semaphore, #tpu.memory_space<semaphore_mem>>) src(%dma_wait3A_39 : memref<128x128xf32, #tpu.memory_space<hbm>>) dst(%arg7 : memref<128x128xf32, #tpu.memory_space<vmem>>)
    %dma_wait3A_40 = arith.constant 0 : i32
    %dma_wait3A_41 = arith.constant 0 : i32
    %dma_wait3A_42 = arith.constant 0 : i32
    %dma_wait3A_43 = tpu.memref_slice %arg3[%dma_wait3A_40, %dma_wait3A_41, %dma_wait3A_42] : memref<1792x1x128xi32, #tpu.memory_space<hbm>> -> memref<1x1x128xi32, #tpu.memory_space<hbm>>
    %dma_wait3A_44 = tpu.memref_squeeze %dma_wait3A_43 : memref<1x1x128xi32, #tpu.memory_space<hbm>> -> memref<1x128xi32, #tpu.memory_space<hbm>>
    %dma_wait3A_45 = arith.constant 0 : i32
    %dma_wait3A_46 = arith.constant 0 : i32
    %dma_wait3A_47 = tpu.memref_slice %arg3[%dma_wait3A_40, %dma_wait3A_45, %dma_wait3A_46] : memref<1792x1x128xi32, #tpu.memory_space<hbm>> -> memref<1x1x128xi32, #tpu.memory_space<hbm>>
    %dma_wait3A_48 = tpu.memref_squeeze %dma_wait3A_47 : memref<1x1x128xi32, #tpu.memory_space<hbm>> -> memref<1x128xi32, #tpu.memory_space<hbm>>
    tpu.wait_dma2 semaphore(%arg16 : memref<!tpu.dma_semaphore, #tpu.memory_space<semaphore_mem>>) src(%dma_wait3A_48 : memref<1x128xi32, #tpu.memory_space<hbm>>) dst(%arg10 : memref<1x128xi32, #tpu.memory_space<vmem>>)
    %barrier3A_49 = arith.constant 0 : index
    tpu.barrier barrier_id(%barrier3A_49)
    "tpu.region"() ({
      %run_scoped3A = tpu.sem_alloc : memref<!tpu.dma_semaphore, #tpu.memory_space<semaphore_mem>>
      %dma_start3A_50 = arith.constant 0 : i32
      %dma_start3A_51 = arith.constant 0 : i32
      %dma_start3A_52 = tpu.memref_slice %arg5[%arg0, %dma_start3A_50, %dma_start3A_51] : memref<2x10112x128xf32, #tpu.memory_space<hbm>> -> memref<1x10112x128xf32, #tpu.memory_space<hbm>>
      %dma_start3A_53 = tpu.memref_squeeze %dma_start3A_52 : memref<1x10112x128xf32, #tpu.memory_space<hbm>> -> memref<10112x128xf32, #tpu.memory_space<hbm>>
      %dma_start3A_54 = arith.constant 0 : i32
      %dma_start3A_55 = tpu.memref_slice %dma_start3A_53[%mul3A_2, %dma_start3A_54] : memref<10112x128xf32, #tpu.memory_space<hbm>> -> memref<632x128xf32, #tpu.memory_space<hbm>>
      %dma_start3A_56 = arith.constant 0 : i32
      %dma_start3A_57 = tpu.memref_slice %arg6[%mul3A_2, %dma_start3A_56] : memref<10112x128xf32, #tpu.memory_space<vmem_shared>> -> memref<632x128xf32, #tpu.memory_space<vmem_shared>>
      tpu.enqueue_dma source(%dma_start3A_57 : memref<632x128xf32, #tpu.memory_space<vmem_shared>>) target(%dma_start3A_55 : memref<632x128xf32, #tpu.memory_space<hbm>>) target_semaphore(%run_scoped3A : memref<!tpu.dma_semaphore, #tpu.memory_space<semaphore_mem>>)
      %dma_wait3A_58 = arith.constant 0 : i32
      %dma_wait3A_59 = arith.constant 0 : i32
      %dma_wait3A_60 = tpu.memref_slice %arg5[%arg0, %dma_wait3A_58, %dma_wait3A_59] : memref<2x10112x128xf32, #tpu.memory_space<hbm>> -> memref<1x10112x128xf32, #tpu.memory_space<hbm>>
      %dma_wait3A_61 = tpu.memref_squeeze %dma_wait3A_60 : memref<1x10112x128xf32, #tpu.memory_space<hbm>> -> memref<10112x128xf32, #tpu.memory_space<hbm>>
      %dma_wait3A_62 = arith.constant 0 : i32
      %dma_wait3A_63 = tpu.memref_slice %dma_wait3A_61[%mul3A_2, %dma_wait3A_62] : memref<10112x128xf32, #tpu.memory_space<hbm>> -> memref<632x128xf32, #tpu.memory_space<hbm>>
      %dma_wait3A_64 = arith.constant 0 : i32
      %dma_wait3A_65 = tpu.memref_slice %arg6[%mul3A_2, %dma_wait3A_64] : memref<10112x128xf32, #tpu.memory_space<vmem_shared>> -> memref<632x128xf32, #tpu.memory_space<vmem_shared>>
      tpu.wait_dma2 semaphore(%run_scoped3A : memref<!tpu.dma_semaphore, #tpu.memory_space<semaphore_mem>>) src(%dma_wait3A_65 : memref<632x128xf32, #tpu.memory_space<vmem_shared>>) dst(%dma_wait3A_63 : memref<632x128xf32, #tpu.memory_space<hbm>>)
      tpu.yield
    }) : () -> ()
    return
  }
}

module attributes {stable_mosaic.version = 14 : i64} {
  func.func @_stats_body(%arg0: i32, %arg1: memref<8000x128xf32, #tpu.memory_space<vmem>>, %arg2: memref<1x128xf32, #tpu.memory_space<vmem>>, %arg3: memref<1x128xf32, #tpu.memory_space<vmem>>) attributes {dimension_semantics = [#tpu.dimension_semantics<arbitrary>], iteration_bounds = array<i64: 40>, scalar_prefetch = 0 : i64, scratch_operands = 0 : i64, tpu.core_type = #tpu.core_type<tc>, window_params = [{transform_indices = @transform_0, window_bounds = array<i64: 8000, 128>}, {pipeline_mode = #tpu.pipeline_mode<synchronous>, transform_indices = @transform_1, window_bounds = array<i64: 1, 128>}, {pipeline_mode = #tpu.pipeline_mode<synchronous>, transform_indices = @transform_2, window_bounds = array<i64: 1, 128>}]} {
    %get3A = arith.constant 0 : index
    %get3A_0 = arith.constant 0 : index
    %get3A_1 = vector.load %arg1[%get3A, %get3A_0] : memref<8000x128xf32, #tpu.memory_space<vmem>>, vector<8000x128xf32>
    %eq3A = arith.constant 0 : i32
    %eq3A_2 = arith.cmpi eq, %arg0, %eq3A : i32
    %convert_element_type3A = arith.extui %eq3A_2 : i1 to i32
    %cond3A = arith.constant 0 : i32
    %cond3A_3 = arith.cmpi ne, %convert_element_type3A, %cond3A : i32
    scf.if %cond3A_3 {
      %broadcast_in_dim3A_20 = arith.constant 0.000000e+00 : f32
      %broadcast_in_dim3A_21 = vector.broadcast %broadcast_in_dim3A_20 : f32 to vector<1x128xf32>
      %swap3A_22 = arith.constant 0 : index
      %swap3A_23 = arith.constant 0 : index
      %swap3A_24 = vector.load %arg2[%swap3A_22, %swap3A_23] : memref<1x128xf32, #tpu.memory_space<vmem>>, vector<1x128xf32>
      tpu.vector_store %arg2[%swap3A_22, %swap3A_23], %broadcast_in_dim3A_21 {strides = array<i32>} : memref<1x128xf32, #tpu.memory_space<vmem>>, vector<1x128xf32>,
      %broadcast_in_dim3A_25 = arith.constant 0.000000e+00 : f32
      %broadcast_in_dim3A_26 = vector.broadcast %broadcast_in_dim3A_25 : f32 to vector<1x128xf32>
      %swap3A_27 = arith.constant 0 : index
      %swap3A_28 = arith.constant 0 : index
      %swap3A_29 = vector.load %arg3[%swap3A_27, %swap3A_28] : memref<1x128xf32, #tpu.memory_space<vmem>>, vector<1x128xf32>
      tpu.vector_store %arg3[%swap3A_27, %swap3A_28], %broadcast_in_dim3A_26 {strides = array<i32>} : memref<1x128xf32, #tpu.memory_space<vmem>>, vector<1x128xf32>,
    } else {
    }
    %get3A_4 = arith.constant 0 : index
    %get3A_5 = arith.constant 0 : index
    %get3A_6 = vector.load %arg2[%get3A_4, %get3A_5] : memref<1x128xf32, #tpu.memory_space<vmem>>, vector<1x128xf32>
    %reduce_sum3A = arith.constant dense<0.000000e+00> : vector<128xf32>
    %reduce_sum3A_7 = vector.multi_reduction <add>, %get3A_1, %reduce_sum3A [0] : vector<8000x128xf32> to vector<128xf32>
    %broadcast_in_dim3A = vector.shape_cast %reduce_sum3A_7 : vector<128xf32> to vector<1x128xf32>
    %add3A = arith.addf %get3A_6, %broadcast_in_dim3A : vector<1x128xf32>
    %swap3A = arith.constant 0 : index
    %swap3A_8 = arith.constant 0 : index
    %swap3A_9 = vector.load %arg2[%swap3A, %swap3A_8] : memref<1x128xf32, #tpu.memory_space<vmem>>, vector<1x128xf32>
    tpu.vector_store %arg2[%swap3A, %swap3A_8], %add3A {strides = array<i32>} : memref<1x128xf32, #tpu.memory_space<vmem>>, vector<1x128xf32>,
    %get3A_10 = arith.constant 0 : index
    %get3A_11 = arith.constant 0 : index
    %get3A_12 = vector.load %arg3[%get3A_10, %get3A_11] : memref<1x128xf32, #tpu.memory_space<vmem>>, vector<1x128xf32>
    %mul3A = arith.mulf %get3A_1, %get3A_1 : vector<8000x128xf32>
    %reduce_sum3A_13 = arith.constant dense<0.000000e+00> : vector<128xf32>
    %reduce_sum3A_14 = vector.multi_reduction <add>, %mul3A, %reduce_sum3A_13 [0] : vector<8000x128xf32> to vector<128xf32>
    %broadcast_in_dim3A_15 = vector.shape_cast %reduce_sum3A_14 : vector<128xf32> to vector<1x128xf32>
    %add3A_16 = arith.addf %get3A_12, %broadcast_in_dim3A_15 : vector<1x128xf32>
    %swap3A_17 = arith.constant 0 : index
    %swap3A_18 = arith.constant 0 : index
    %swap3A_19 = vector.load %arg3[%swap3A_17, %swap3A_18] : memref<1x128xf32, #tpu.memory_space<vmem>>, vector<1x128xf32>
    tpu.vector_store %arg3[%swap3A_17, %swap3A_18], %add3A_16 {strides = array<i32>} : memref<1x128xf32, #tpu.memory_space<vmem>>, vector<1x128xf32>,
    return
  }
  func.func @transform_0(%arg0: i32) -> (i32, i32) {
    %c0_i32 = arith.constant 0 : i32
    %c0_i32_0 = arith.constant 0 : i32
    return %arg0, %c0_i32 : i32, i32
  }
  func.func @transform_1(%arg0: i32) -> (i32, i32) {
    %c0_i32 = arith.constant 0 : i32
    %c0_i32_0 = arith.constant 0 : i32
    %c0_i32_1 = arith.constant 0 : i32
    return %c0_i32, %c0_i32_0 : i32, i32
  }
  func.func @transform_2(%arg0: i32) -> (i32, i32) {
    %c0_i32 = arith.constant 0 : i32
    %c0_i32_0 = arith.constant 0 : i32
    %c0_i32_1 = arith.constant 0 : i32
    return %c0_i32, %c0_i32_0 : i32, i32
  }
}

module attributes {stable_mosaic.version = 14 : i64} {
  func.func @_mlp_body(%arg0: i32, %arg1: memref<1x128xf32, #tpu.memory_space<vmem>>, %arg2: memref<1x128xf32, #tpu.memory_space<vmem>>, %arg3: memref<1x128xf32, #tpu.memory_space<vmem>>, %arg4: memref<1x128xf32, #tpu.memory_space<vmem>>, %arg5: memref<256x128xbf16, #tpu.memory_space<vmem>>, %arg6: memref<1x256xf32, #tpu.memory_space<vmem>>, %arg7: memref<256x256xbf16, #tpu.memory_space<vmem>>, %arg8: memref<1x256xf32, #tpu.memory_space<vmem>>, %arg9: memref<4000x128xf32, #tpu.memory_space<vmem>>, %arg10: memref<2x4000x128xf32, #tpu.memory_space<vmem>>) attributes {dimension_semantics = [#tpu.dimension_semantics<arbitrary>], iteration_bounds = array<i64: 28>, scalar_prefetch = 0 : i64, scratch_operands = 0 : i64, tpu.core_type = #tpu.core_type<tc>, window_params = [{pipeline_mode = #tpu.pipeline_mode<synchronous>, transform_indices = @transform_0, window_bounds = array<i64: 1, 128>}, {pipeline_mode = #tpu.pipeline_mode<synchronous>, transform_indices = @transform_1, window_bounds = array<i64: 1, 128>}, {pipeline_mode = #tpu.pipeline_mode<synchronous>, transform_indices = @transform_2, window_bounds = array<i64: 1, 128>}, {pipeline_mode = #tpu.pipeline_mode<synchronous>, transform_indices = @transform_3, window_bounds = array<i64: 1, 128>}, {pipeline_mode = #tpu.pipeline_mode<synchronous>, transform_indices = @transform_4, window_bounds = array<i64: 256, 128>}, {pipeline_mode = #tpu.pipeline_mode<synchronous>, transform_indices = @transform_5, window_bounds = array<i64: 1, 256>}, {pipeline_mode = #tpu.pipeline_mode<synchronous>, transform_indices = @transform_6, window_bounds = array<i64: 256, 256>}, {pipeline_mode = #tpu.pipeline_mode<synchronous>, transform_indices = @transform_7, window_bounds = array<i64: 1, 256>}, {transform_indices = @transform_8, window_bounds = array<i64: 4000, 128>}, {transform_indices = @transform_9, window_bounds = array<i64: 2, 4000, 128>}]} {
    %get3A = arith.constant 0 : index
    %get3A_0 = arith.constant 0 : index
    %get3A_1 = vector.load %arg1[%get3A, %get3A_0] : memref<1x128xf32, #tpu.memory_space<vmem>>, vector<1x128xf32>
    %div3A = arith.constant 3.200000e+05 : f32
    %div3A_2 = vector.broadcast %div3A : f32 to vector<1x128xf32>
    %div3A_3 = arith.divf %get3A_1, %div3A_2 : vector<1x128xf32>
    %get3A_4 = arith.constant 0 : index
    %get3A_5 = arith.constant 0 : index
    %get3A_6 = vector.load %arg2[%get3A_4, %get3A_5] : memref<1x128xf32, #tpu.memory_space<vmem>>, vector<1x128xf32>
    %div3A_7 = arith.constant 3.200000e+05 : f32
    %div3A_8 = vector.broadcast %div3A_7 : f32 to vector<1x128xf32>
    %div3A_9 = arith.divf %get3A_6, %div3A_8 : vector<1x128xf32>
    %mul3A = arith.mulf %div3A_3, %div3A_3 : vector<1x128xf32>
    %sub3A = arith.subf %div3A_9, %mul3A : vector<1x128xf32>
    %get3A_10 = arith.constant 0 : index
    %get3A_11 = arith.constant 0 : index
    %get3A_12 = vector.load %arg3[%get3A_10, %get3A_11] : memref<1x128xf32, #tpu.memory_space<vmem>>, vector<1x128xf32>
    %add3A = arith.constant 9.99999974E-6 : f32
    %add3A_13 = vector.broadcast %add3A : f32 to vector<1x128xf32>
    %add3A_14 = arith.addf %sub3A, %add3A_13 : vector<1x128xf32>
    %rsqrt3A = math.rsqrt %add3A_14 : vector<1x128xf32>
    %mul3A_15 = arith.mulf %get3A_12, %rsqrt3A : vector<1x128xf32>
    %get3A_16 = arith.constant 0 : index
    %get3A_17 = arith.constant 0 : index
    %get3A_18 = vector.load %arg4[%get3A_16, %get3A_17] : memref<1x128xf32, #tpu.memory_space<vmem>>, vector<1x128xf32>
    %mul3A_19 = arith.mulf %div3A_3, %mul3A_15 : vector<1x128xf32>
    %sub3A_20 = arith.subf %get3A_18, %mul3A_19 : vector<1x128xf32>
    %get3A_21 = arith.constant 0 : index
    %get3A_22 = arith.constant 0 : index
    %get3A_23 = vector.load %arg9[%get3A_21, %get3A_22] : memref<4000x128xf32, #tpu.memory_space<vmem>>, vector<4000x128xf32>
    %mul3A_24 = vector.broadcast %mul3A_15 : vector<1x128xf32> to vector<4000x128xf32>
    %mul3A_25 = arith.mulf %get3A_23, %mul3A_24 : vector<4000x128xf32>
    %add3A_26 = vector.broadcast %sub3A_20 : vector<1x128xf32> to vector<4000x128xf32>
    %add3A_27 = arith.addf %mul3A_25, %add3A_26 : vector<4000x128xf32>
    %convert_element_type3A = arith.truncf %add3A_27 : vector<4000x128xf32> to vector<4000x128xbf16>
    %get3A_28 = arith.constant 0 : index
    %get3A_29 = arith.constant 0 : index
    %get3A_30 = vector.load %arg5[%get3A_28, %get3A_29] : memref<256x128xbf16, #tpu.memory_space<vmem>>, vector<256x128xbf16>
    %dot_general3A = arith.constant dense<0.000000e+00> : vector<4000x256xf32>
    %dot_general3A_31 = tpu.matmul %convert_element_type3A, %get3A_30, %dot_general3A {dimension_numbers = #tpu.dot_dimension_numbers<[1], [1], [0], [0], [0, 0, 1, 0], [], []>, transpose_lhs_hint = false} : vector<4000x128xbf16>, vector<256x128xbf16>, vector<4000x256xf32> -> vector<4000x256xf32>
    %get3A_32 = arith.constant 0 : index
    %get3A_33 = arith.constant 0 : index
    %get3A_34 = vector.load %arg6[%get3A_32, %get3A_33] : memref<1x256xf32, #tpu.memory_space<vmem>>, vector<1x256xf32>
    %add3A_35 = vector.broadcast %get3A_34 : vector<1x256xf32> to vector<4000x256xf32>
    %add3A_36 = arith.addf %dot_general3A_31, %add3A_35 : vector<4000x256xf32>
    %max3A = arith.constant 0.000000e+00 : f32
    %max3A_37 = vector.broadcast %max3A : f32 to vector<4000x256xf32>
    %max3A_38 = arith.maximumf %add3A_36, %max3A_37 : vector<4000x256xf32>
    %convert_element_type3A_39 = arith.truncf %max3A_38 : vector<4000x256xf32> to vector<4000x256xbf16>
    %get3A_40 = arith.constant 0 : index
    %get3A_41 = arith.constant 0 : index
    %get3A_42 = vector.load %arg7[%get3A_40, %get3A_41] : memref<256x256xbf16, #tpu.memory_space<vmem>>, vector<256x256xbf16>
    %dot_general3A_43 = arith.constant dense<0.000000e+00> : vector<4000x256xf32>
    %dot_general3A_44 = tpu.matmul %convert_element_type3A_39, %get3A_42, %dot_general3A_43 {dimension_numbers = #tpu.dot_dimension_numbers<[1], [1], [0], [0], [0, 0, 1, 0], [], []>, transpose_lhs_hint = false} : vector<4000x256xbf16>, vector<256x256xbf16>, vector<4000x256xf32> -> vector<4000x256xf32>
    %get3A_45 = arith.constant 0 : index
    %get3A_46 = arith.constant 0 : index
    %get3A_47 = vector.load %arg8[%get3A_45, %get3A_46] : memref<1x256xf32, #tpu.memory_space<vmem>>, vector<1x256xf32>
    %add3A_48 = vector.broadcast %get3A_47 : vector<1x256xf32> to vector<4000x256xf32>
    %add3A_49 = arith.addf %dot_general3A_44, %add3A_48 : vector<4000x256xf32>
    %slice3A = vector.extract_strided_slice %add3A_49 {offsets = [0, 0], sizes = [4000, 128], strides = [1, 1]} : vector<4000x256xf32> to vector<4000x128xf32>
    %swap3A = arith.constant 0 : index
    %swap3A_50 = arith.constant 0 : index
    %swap3A_51 = arith.constant 0 : index
    %swap3A_52 = vector.load %arg10[%swap3A, %swap3A_50, %swap3A_51] : memref<2x4000x128xf32, #tpu.memory_space<vmem>>, vector<1x4000x128xf32>
    %swap3A_53 = vector.shape_cast %swap3A_52 : vector<1x4000x128xf32> to vector<4000x128xf32>
    %swap3A_54 = vector.shape_cast %slice3A : vector<4000x128xf32> to vector<1x4000x128xf32>
    tpu.vector_store %arg10[%swap3A, %swap3A_50, %swap3A_51], %swap3A_54 {strides = array<i32>} : memref<2x4000x128xf32, #tpu.memory_space<vmem>>, vector<1x4000x128xf32>,
    %slice3A_55 = vector.extract_strided_slice %add3A_49 {offsets = [0, 128], sizes = [4000, 128], strides = [1, 1]} : vector<4000x256xf32> to vector<4000x128xf32>
    %swap3A_56 = arith.constant 1 : index
    %swap3A_57 = arith.constant 0 : index
    %swap3A_58 = arith.constant 0 : index
    %swap3A_59 = vector.load %arg10[%swap3A_56, %swap3A_57, %swap3A_58] : memref<2x4000x128xf32, #tpu.memory_space<vmem>>, vector<1x4000x128xf32>
    %swap3A_60 = vector.shape_cast %swap3A_59 : vector<1x4000x128xf32> to vector<4000x128xf32>
    %swap3A_61 = vector.shape_cast %slice3A_55 : vector<4000x128xf32> to vector<1x4000x128xf32>
    tpu.vector_store %arg10[%swap3A_56, %swap3A_57, %swap3A_58], %swap3A_61 {strides = array<i32>} : memref<2x4000x128xf32, #tpu.memory_space<vmem>>, vector<1x4000x128xf32>,
    return
  }
  func.func @transform_0(%arg0: i32) -> (i32, i32) {
    %c0_i32 = arith.constant 0 : i32
    %c0_i32_0 = arith.constant 0 : i32
    %c0_i32_1 = arith.constant 0 : i32
    return %c0_i32, %c0_i32_0 : i32, i32
  }
  func.func @transform_1(%arg0: i32) -> (i32, i32) {
    %c0_i32 = arith.constant 0 : i32
    %c0_i32_0 = arith.constant 0 : i32
    %c0_i32_1 = arith.constant 0 : i32
    return %c0_i32, %c0_i32_0 : i32, i32
  }
  func.func @transform_2(%arg0: i32) -> (i32, i32) {
    %c0_i32 = arith.constant 0 : i32
    %c0_i32_0 = arith.constant 0 : i32
    %c0_i32_1 = arith.constant 0 : i32
    return %c0_i32, %c0_i32_0 : i32, i32
  }
  func.func @transform_3(%arg0: i32) -> (i32, i32) {
    %c0_i32 = arith.constant 0 : i32
    %c0_i32_0 = arith.constant 0 : i32
    %c0_i32_1 = arith.constant 0 : i32
    return %c0_i32, %c0_i32_0 : i32, i32
  }
  func.func @transform_4(%arg0: i32) -> (i32, i32) {
    %c0_i32 = arith.constant 0 : i32
    %c0_i32_0 = arith.constant 0 : i32
    %c0_i32_1 = arith.constant 0 : i32
    return %c0_i32, %c0_i32_0 : i32, i32
  }
  func.func @transform_5(%arg0: i32) -> (i32, i32) {
    %c0_i32 = arith.constant 0 : i32
    %c0_i32_0 = arith.constant 0 : i32
    %c0_i32_1 = arith.constant 0 : i32
    return %c0_i32, %c0_i32_0 : i32, i32
  }
  func.func @transform_6(%arg0: i32) -> (i32, i32) {
    %c0_i32 = arith.constant 0 : i32
    %c0_i32_0 = arith.constant 0 : i32
    %c0_i32_1 = arith.constant 0 : i32
    return %c0_i32, %c0_i32_0 : i32, i32
  }
  func.func @transform_7(%arg0: i32) -> (i32, i32) {
    %c0_i32 = arith.constant 0 : i32
    %c0_i32_0 = arith.constant 0 : i32
    %c0_i32_1 = arith.constant 0 : i32
    return %c0_i32, %c0_i32_0 : i32, i32
  }
  func.func @transform_8(%arg0: i32) -> (i32, i32) {
    %add3A = arith.constant 0 : i32
    %add3A_0 = arith.addi %add3A, %arg0 : i32
    %c0_i32 = arith.constant 0 : i32
    %c0_i32_1 = arith.constant 0 : i32
    return %add3A_0, %c0_i32 : i32, i32
  }
  func.func @transform_9(%arg0: i32) -> (i32, i32, i32) {
    %c0_i32 = arith.constant 0 : i32
    %c0_i32_0 = arith.constant 0 : i32
    %c0_i32_1 = arith.constant 0 : i32
    return %c0_i32, %arg0, %c0_i32_0 : i32, i32, i32
  }
}

module attributes {stable_mosaic.version = 14 : i64} {
  func.func @_mlp_body(%arg0: i32, %arg1: memref<1x128xf32, #tpu.memory_space<vmem>>, %arg2: memref<1x128xf32, #tpu.memory_space<vmem>>, %arg3: memref<1x128xf32, #tpu.memory_space<vmem>>, %arg4: memref<1x128xf32, #tpu.memory_space<vmem>>, %arg5: memref<256x128xbf16, #tpu.memory_space<vmem>>, %arg6: memref<1x256xf32, #tpu.memory_space<vmem>>, %arg7: memref<256x256xbf16, #tpu.memory_space<vmem>>, %arg8: memref<1x256xf32, #tpu.memory_space<vmem>>, %arg9: memref<4000x128xf32, #tpu.memory_space<vmem>>, %arg10: memref<2x4000x128xf32, #tpu.memory_space<vmem>>) attributes {dimension_semantics = [#tpu.dimension_semantics<arbitrary>], iteration_bounds = array<i64: 52>, scalar_prefetch = 0 : i64, scratch_operands = 0 : i64, tpu.core_type = #tpu.core_type<tc>, window_params = [{pipeline_mode = #tpu.pipeline_mode<synchronous>, transform_indices = @transform_0, window_bounds = array<i64: 1, 128>}, {pipeline_mode = #tpu.pipeline_mode<synchronous>, transform_indices = @transform_1, window_bounds = array<i64: 1, 128>}, {pipeline_mode = #tpu.pipeline_mode<synchronous>, transform_indices = @transform_2, window_bounds = array<i64: 1, 128>}, {pipeline_mode = #tpu.pipeline_mode<synchronous>, transform_indices = @transform_3, window_bounds = array<i64: 1, 128>}, {pipeline_mode = #tpu.pipeline_mode<synchronous>, transform_indices = @transform_4, window_bounds = array<i64: 256, 128>}, {pipeline_mode = #tpu.pipeline_mode<synchronous>, transform_indices = @transform_5, window_bounds = array<i64: 1, 256>}, {pipeline_mode = #tpu.pipeline_mode<synchronous>, transform_indices = @transform_6, window_bounds = array<i64: 256, 256>}, {pipeline_mode = #tpu.pipeline_mode<synchronous>, transform_indices = @transform_7, window_bounds = array<i64: 1, 256>}, {transform_indices = @transform_8, window_bounds = array<i64: 4000, 128>}, {transform_indices = @transform_9, window_bounds = array<i64: 2, 4000, 128>}]} {
    %get3A = arith.constant 0 : index
    %get3A_0 = arith.constant 0 : index
    %get3A_1 = vector.load %arg1[%get3A, %get3A_0] : memref<1x128xf32, #tpu.memory_space<vmem>>, vector<1x128xf32>
    %div3A = arith.constant 3.200000e+05 : f32
    %div3A_2 = vector.broadcast %div3A : f32 to vector<1x128xf32>
    %div3A_3 = arith.divf %get3A_1, %div3A_2 : vector<1x128xf32>
    %get3A_4 = arith.constant 0 : index
    %get3A_5 = arith.constant 0 : index
    %get3A_6 = vector.load %arg2[%get3A_4, %get3A_5] : memref<1x128xf32, #tpu.memory_space<vmem>>, vector<1x128xf32>
    %div3A_7 = arith.constant 3.200000e+05 : f32
    %div3A_8 = vector.broadcast %div3A_7 : f32 to vector<1x128xf32>
    %div3A_9 = arith.divf %get3A_6, %div3A_8 : vector<1x128xf32>
    %mul3A = arith.mulf %div3A_3, %div3A_3 : vector<1x128xf32>
    %sub3A = arith.subf %div3A_9, %mul3A : vector<1x128xf32>
    %get3A_10 = arith.constant 0 : index
    %get3A_11 = arith.constant 0 : index
    %get3A_12 = vector.load %arg3[%get3A_10, %get3A_11] : memref<1x128xf32, #tpu.memory_space<vmem>>, vector<1x128xf32>
    %add3A = arith.constant 9.99999974E-6 : f32
    %add3A_13 = vector.broadcast %add3A : f32 to vector<1x128xf32>
    %add3A_14 = arith.addf %sub3A, %add3A_13 : vector<1x128xf32>
    %rsqrt3A = math.rsqrt %add3A_14 : vector<1x128xf32>
    %mul3A_15 = arith.mulf %get3A_12, %rsqrt3A : vector<1x128xf32>
    %get3A_16 = arith.constant 0 : index
    %get3A_17 = arith.constant 0 : index
    %get3A_18 = vector.load %arg4[%get3A_16, %get3A_17] : memref<1x128xf32, #tpu.memory_space<vmem>>, vector<1x128xf32>
    %mul3A_19 = arith.mulf %div3A_3, %mul3A_15 : vector<1x128xf32>
    %sub3A_20 = arith.subf %get3A_18, %mul3A_19 : vector<1x128xf32>
    %get3A_21 = arith.constant 0 : index
    %get3A_22 = arith.constant 0 : index
    %get3A_23 = vector.load %arg9[%get3A_21, %get3A_22] : memref<4000x128xf32, #tpu.memory_space<vmem>>, vector<4000x128xf32>
    %mul3A_24 = vector.broadcast %mul3A_15 : vector<1x128xf32> to vector<4000x128xf32>
    %mul3A_25 = arith.mulf %get3A_23, %mul3A_24 : vector<4000x128xf32>
    %add3A_26 = vector.broadcast %sub3A_20 : vector<1x128xf32> to vector<4000x128xf32>
    %add3A_27 = arith.addf %mul3A_25, %add3A_26 : vector<4000x128xf32>
    %convert_element_type3A = arith.truncf %add3A_27 : vector<4000x128xf32> to vector<4000x128xbf16>
    %get3A_28 = arith.constant 0 : index
    %get3A_29 = arith.constant 0 : index
    %get3A_30 = vector.load %arg5[%get3A_28, %get3A_29] : memref<256x128xbf16, #tpu.memory_space<vmem>>, vector<256x128xbf16>
    %dot_general3A = arith.constant dense<0.000000e+00> : vector<4000x256xf32>
    %dot_general3A_31 = tpu.matmul %convert_element_type3A, %get3A_30, %dot_general3A {dimension_numbers = #tpu.dot_dimension_numbers<[1], [1], [0], [0], [0, 0, 1, 0], [], []>, transpose_lhs_hint = false} : vector<4000x128xbf16>, vector<256x128xbf16>, vector<4000x256xf32> -> vector<4000x256xf32>
    %get3A_32 = arith.constant 0 : index
    %get3A_33 = arith.constant 0 : index
    %get3A_34 = vector.load %arg6[%get3A_32, %get3A_33] : memref<1x256xf32, #tpu.memory_space<vmem>>, vector<1x256xf32>
    %add3A_35 = vector.broadcast %get3A_34 : vector<1x256xf32> to vector<4000x256xf32>
    %add3A_36 = arith.addf %dot_general3A_31, %add3A_35 : vector<4000x256xf32>
    %max3A = arith.constant 0.000000e+00 : f32
    %max3A_37 = vector.broadcast %max3A : f32 to vector<4000x256xf32>
    %max3A_38 = arith.maximumf %add3A_36, %max3A_37 : vector<4000x256xf32>
    %convert_element_type3A_39 = arith.truncf %max3A_38 : vector<4000x256xf32> to vector<4000x256xbf16>
    %get3A_40 = arith.constant 0 : index
    %get3A_41 = arith.constant 0 : index
    %get3A_42 = vector.load %arg7[%get3A_40, %get3A_41] : memref<256x256xbf16, #tpu.memory_space<vmem>>, vector<256x256xbf16>
    %dot_general3A_43 = arith.constant dense<0.000000e+00> : vector<4000x256xf32>
    %dot_general3A_44 = tpu.matmul %convert_element_type3A_39, %get3A_42, %dot_general3A_43 {dimension_numbers = #tpu.dot_dimension_numbers<[1], [1], [0], [0], [0, 0, 1, 0], [], []>, transpose_lhs_hint = false} : vector<4000x256xbf16>, vector<256x256xbf16>, vector<4000x256xf32> -> vector<4000x256xf32>
    %get3A_45 = arith.constant 0 : index
    %get3A_46 = arith.constant 0 : index
    %get3A_47 = vector.load %arg8[%get3A_45, %get3A_46] : memref<1x256xf32, #tpu.memory_space<vmem>>, vector<1x256xf32>
    %add3A_48 = vector.broadcast %get3A_47 : vector<1x256xf32> to vector<4000x256xf32>
    %add3A_49 = arith.addf %dot_general3A_44, %add3A_48 : vector<4000x256xf32>
    %slice3A = vector.extract_strided_slice %add3A_49 {offsets = [0, 0], sizes = [4000, 128], strides = [1, 1]} : vector<4000x256xf32> to vector<4000x128xf32>
    %swap3A = arith.constant 0 : index
    %swap3A_50 = arith.constant 0 : index
    %swap3A_51 = arith.constant 0 : index
    %swap3A_52 = vector.load %arg10[%swap3A, %swap3A_50, %swap3A_51] : memref<2x4000x128xf32, #tpu.memory_space<vmem>>, vector<1x4000x128xf32>
    %swap3A_53 = vector.shape_cast %swap3A_52 : vector<1x4000x128xf32> to vector<4000x128xf32>
    %swap3A_54 = vector.shape_cast %slice3A : vector<4000x128xf32> to vector<1x4000x128xf32>
    tpu.vector_store %arg10[%swap3A, %swap3A_50, %swap3A_51], %swap3A_54 {strides = array<i32>} : memref<2x4000x128xf32, #tpu.memory_space<vmem>>, vector<1x4000x128xf32>,
    %slice3A_55 = vector.extract_strided_slice %add3A_49 {offsets = [0, 128], sizes = [4000, 128], strides = [1, 1]} : vector<4000x256xf32> to vector<4000x128xf32>
    %swap3A_56 = arith.constant 1 : index
    %swap3A_57 = arith.constant 0 : index
    %swap3A_58 = arith.constant 0 : index
    %swap3A_59 = vector.load %arg10[%swap3A_56, %swap3A_57, %swap3A_58] : memref<2x4000x128xf32, #tpu.memory_space<vmem>>, vector<1x4000x128xf32>
    %swap3A_60 = vector.shape_cast %swap3A_59 : vector<1x4000x128xf32> to vector<4000x128xf32>
    %swap3A_61 = vector.shape_cast %slice3A_55 : vector<4000x128xf32> to vector<1x4000x128xf32>
    tpu.vector_store %arg10[%swap3A_56, %swap3A_57, %swap3A_58], %swap3A_61 {strides = array<i32>} : memref<2x4000x128xf32, #tpu.memory_space<vmem>>, vector<1x4000x128xf32>,
    return
  }
  func.func @transform_0(%arg0: i32) -> (i32, i32) {
    %c0_i32 = arith.constant 0 : i32
    %c0_i32_0 = arith.constant 0 : i32
    %c0_i32_1 = arith.constant 0 : i32
    return %c0_i32, %c0_i32_0 : i32, i32
  }
  func.func @transform_1(%arg0: i32) -> (i32, i32) {
    %c0_i32 = arith.constant 0 : i32
    %c0_i32_0 = arith.constant 0 : i32
    %c0_i32_1 = arith.constant 0 : i32
    return %c0_i32, %c0_i32_0 : i32, i32
  }
  func.func @transform_2(%arg0: i32) -> (i32, i32) {
    %c0_i32 = arith.constant 0 : i32
    %c0_i32_0 = arith.constant 0 : i32
    %c0_i32_1 = arith.constant 0 : i32
    return %c0_i32, %c0_i32_0 : i32, i32
  }
  func.func @transform_3(%arg0: i32) -> (i32, i32) {
    %c0_i32 = arith.constant 0 : i32
    %c0_i32_0 = arith.constant 0 : i32
    %c0_i32_1 = arith.constant 0 : i32
    return %c0_i32, %c0_i32_0 : i32, i32
  }
  func.func @transform_4(%arg0: i32) -> (i32, i32) {
    %c0_i32 = arith.constant 0 : i32
    %c0_i32_0 = arith.constant 0 : i32
    %c0_i32_1 = arith.constant 0 : i32
    return %c0_i32, %c0_i32_0 : i32, i32
  }
  func.func @transform_5(%arg0: i32) -> (i32, i32) {
    %c0_i32 = arith.constant 0 : i32
    %c0_i32_0 = arith.constant 0 : i32
    %c0_i32_1 = arith.constant 0 : i32
    return %c0_i32, %c0_i32_0 : i32, i32
  }
  func.func @transform_6(%arg0: i32) -> (i32, i32) {
    %c0_i32 = arith.constant 0 : i32
    %c0_i32_0 = arith.constant 0 : i32
    %c0_i32_1 = arith.constant 0 : i32
    return %c0_i32, %c0_i32_0 : i32, i32
  }
  func.func @transform_7(%arg0: i32) -> (i32, i32) {
    %c0_i32 = arith.constant 0 : i32
    %c0_i32_0 = arith.constant 0 : i32
    %c0_i32_1 = arith.constant 0 : i32
    return %c0_i32, %c0_i32_0 : i32, i32
  }
  func.func @transform_8(%arg0: i32) -> (i32, i32) {
    %add3A = arith.constant 28 : i32
    %add3A_0 = arith.addi %add3A, %arg0 : i32
    %c0_i32 = arith.constant 0 : i32
    %c0_i32_1 = arith.constant 0 : i32
    return %add3A_0, %c0_i32 : i32, i32
  }
  func.func @transform_9(%arg0: i32) -> (i32, i32, i32) {
    %c0_i32 = arith.constant 0 : i32
    %c0_i32_0 = arith.constant 0 : i32
    %c0_i32_1 = arith.constant 0 : i32
    return %c0_i32, %arg0, %c0_i32_0 : i32, i32, i32
  }
}

module attributes {stable_mosaic.version = 14 : i64} {
  func.func @_node_body(%arg0: memref<2x10112x128xf32, #tpu.memory_space<vmem>>, %arg1: memref<1x128xf32, #tpu.memory_space<vmem>>, %arg2: memref<1x128xf32, #tpu.memory_space<vmem>>, %arg3: memref<128x128xbf16, #tpu.memory_space<vmem>>, %arg4: memref<1x128xf32, #tpu.memory_space<vmem>>, %arg5: memref<128x128xbf16, #tpu.memory_space<vmem>>, %arg6: memref<1x128xf32, #tpu.memory_space<vmem>>, %arg7: memref<10000x128xf32, #tpu.memory_space<vmem>>) attributes {dimension_semantics = [], scalar_prefetch = 0 : i64, scratch_operands = 0 : i64, tpu.core_type = #tpu.core_type<tc>} {
    %get3A = arith.constant 0 : index
    %get3A_0 = arith.constant 0 : index
    %get3A_1 = arith.constant 0 : index
    %get3A_2 = vector.load %arg0[%get3A, %get3A_0, %get3A_1] : memref<2x10112x128xf32, #tpu.memory_space<vmem>>, vector<1x10000x128xf32>
    %get3A_3 = vector.shape_cast %get3A_2 : vector<1x10000x128xf32> to vector<10000x128xf32>
    %get3A_4 = arith.constant 1 : index
    %get3A_5 = arith.constant 0 : index
    %get3A_6 = arith.constant 0 : index
    %get3A_7 = vector.load %arg0[%get3A_4, %get3A_5, %get3A_6] : memref<2x10112x128xf32, #tpu.memory_space<vmem>>, vector<1x10000x128xf32>
    %get3A_8 = vector.shape_cast %get3A_7 : vector<1x10000x128xf32> to vector<10000x128xf32>
    %add3A = arith.addf %get3A_3, %get3A_8 : vector<10000x128xf32>
    %reduce_sum3A = arith.constant dense<0.000000e+00> : vector<128xf32>
    %reduce_sum3A_9 = vector.multi_reduction <add>, %add3A, %reduce_sum3A [0] : vector<10000x128xf32> to vector<128xf32>
    %broadcast_in_dim3A = vector.shape_cast %reduce_sum3A_9 : vector<128xf32> to vector<1x128xf32>
    %div3A = arith.constant 1.000000e+04 : f32
    %div3A_10 = vector.broadcast %div3A : f32 to vector<1x128xf32>
    %div3A_11 = arith.divf %broadcast_in_dim3A, %div3A_10 : vector<1x128xf32>
    %mul3A = arith.mulf %add3A, %add3A : vector<10000x128xf32>
    %reduce_sum3A_12 = arith.constant dense<0.000000e+00> : vector<128xf32>
    %reduce_sum3A_13 = vector.multi_reduction <add>, %mul3A, %reduce_sum3A_12 [0] : vector<10000x128xf32> to vector<128xf32>
    %broadcast_in_dim3A_14 = vector.shape_cast %reduce_sum3A_13 : vector<128xf32> to vector<1x128xf32>
    %div3A_15 = arith.constant 1.000000e+04 : f32
    %div3A_16 = vector.broadcast %div3A_15 : f32 to vector<1x128xf32>
    %div3A_17 = arith.divf %broadcast_in_dim3A_14, %div3A_16 : vector<1x128xf32>
    %mul3A_18 = arith.mulf %div3A_11, %div3A_11 : vector<1x128xf32>
    %sub3A = arith.subf %div3A_17, %mul3A_18 : vector<1x128xf32>
    %sub3A_19 = vector.broadcast %div3A_11 : vector<1x128xf32> to vector<10000x128xf32>
    %sub3A_20 = arith.subf %add3A, %sub3A_19 : vector<10000x128xf32>
    %add3A_21 = arith.constant 9.99999974E-6 : f32
    %add3A_22 = vector.broadcast %add3A_21 : f32 to vector<1x128xf32>
    %add3A_23 = arith.addf %sub3A, %add3A_22 : vector<1x128xf32>
    %rsqrt3A = math.rsqrt %add3A_23 : vector<1x128xf32>
    %mul3A_24 = vector.broadcast %rsqrt3A : vector<1x128xf32> to vector<10000x128xf32>
    %mul3A_25 = arith.mulf %sub3A_20, %mul3A_24 : vector<10000x128xf32>
    %get3A_26 = arith.constant 0 : index
    %get3A_27 = arith.constant 0 : index
    %get3A_28 = vector.load %arg1[%get3A_26, %get3A_27] : memref<1x128xf32, #tpu.memory_space<vmem>>, vector<1x128xf32>
    %mul3A_29 = vector.broadcast %get3A_28 : vector<1x128xf32> to vector<10000x128xf32>
    %mul3A_30 = arith.mulf %mul3A_25, %mul3A_29 : vector<10000x128xf32>
    %get3A_31 = arith.constant 0 : index
    %get3A_32 = arith.constant 0 : index
    %get3A_33 = vector.load %arg2[%get3A_31, %get3A_32] : memref<1x128xf32, #tpu.memory_space<vmem>>, vector<1x128xf32>
    %add3A_34 = vector.broadcast %get3A_33 : vector<1x128xf32> to vector<10000x128xf32>
    %add3A_35 = arith.addf %mul3A_30, %add3A_34 : vector<10000x128xf32>
    %convert_element_type3A = arith.truncf %add3A_35 : vector<10000x128xf32> to vector<10000x128xbf16>
    %get3A_36 = arith.constant 0 : index
    %get3A_37 = arith.constant 0 : index
    %get3A_38 = vector.load %arg3[%get3A_36, %get3A_37] : memref<128x128xbf16, #tpu.memory_space<vmem>>, vector<128x128xbf16>
    %dot_general3A = arith.constant dense<0.000000e+00> : vector<10000x128xf32>
    %dot_general3A_39 = tpu.matmul %convert_element_type3A, %get3A_38, %dot_general3A {dimension_numbers = #tpu.dot_dimension_numbers<[1], [1], [0], [0], [0, 0, 1, 0], [], []>, transpose_lhs_hint = false} : vector<10000x128xbf16>, vector<128x128xbf16>, vector<10000x128xf32> -> vector<10000x128xf32>
    %get3A_40 = arith.constant 0 : index
    %get3A_41 = arith.constant 0 : index
    %get3A_42 = vector.load %arg4[%get3A_40, %get3A_41] : memref<1x128xf32, #tpu.memory_space<vmem>>, vector<1x128xf32>
    %add3A_43 = vector.broadcast %get3A_42 : vector<1x128xf32> to vector<10000x128xf32>
    %add3A_44 = arith.addf %dot_general3A_39, %add3A_43 : vector<10000x128xf32>
    %max3A = arith.constant 0.000000e+00 : f32
    %max3A_45 = vector.broadcast %max3A : f32 to vector<10000x128xf32>
    %max3A_46 = arith.maximumf %add3A_44, %max3A_45 : vector<10000x128xf32>
    %convert_element_type3A_47 = arith.truncf %max3A_46 : vector<10000x128xf32> to vector<10000x128xbf16>
    %get3A_48 = arith.constant 0 : index
    %get3A_49 = arith.constant 0 : index
    %get3A_50 = vector.load %arg5[%get3A_48, %get3A_49] : memref<128x128xbf16, #tpu.memory_space<vmem>>, vector<128x128xbf16>
    %dot_general3A_51 = arith.constant dense<0.000000e+00> : vector<10000x128xf32>
    %dot_general3A_52 = tpu.matmul %convert_element_type3A_47, %get3A_50, %dot_general3A_51 {dimension_numbers = #tpu.dot_dimension_numbers<[1], [1], [0], [0], [0, 0, 1, 0], [], []>, transpose_lhs_hint = false} : vector<10000x128xbf16>, vector<128x128xbf16>, vector<10000x128xf32> -> vector<10000x128xf32>
    %get3A_53 = arith.constant 0 : index
    %get3A_54 = arith.constant 0 : index
    %get3A_55 = vector.load %arg6[%get3A_53, %get3A_54] : memref<1x128xf32, #tpu.memory_space<vmem>>, vector<1x128xf32>
    %add3A_56 = vector.broadcast %get3A_55 : vector<1x128xf32> to vector<10000x128xf32>
    %add3A_57 = arith.addf %dot_general3A_52, %add3A_56 : vector<10000x128xf32>
    %swap3A = arith.constant 0 : index
    %swap3A_58 = arith.constant 0 : index
    %swap3A_59 = vector.load %arg7[%swap3A, %swap3A_58] : memref<10000x128xf32, #tpu.memory_space<vmem>>, vector<10000x128xf32>
    tpu.vector_store %arg7[%swap3A, %swap3A_58], %add3A_57 {strides = array<i32>} : memref<10000x128xf32, #tpu.memory_space<vmem>>, vector<10000x128xf32>,
    return
  }
}

</mosaic_0001>

<sc_bundles>
// kernel: kernel.11.cloned.1.call-start
scs
__scs_entry_jumppad:
0x0: {  	(pc) =	sbr.rel $0x88, $3  }
0x1: {  	(tag) =	ssettag $0x0;
	lr =	simm.s32 $0x1  }
0x2: {  	[smem:$0x3F93] =	sst lr;
	_ =	strace $0xD0000000  }
0x3: {  	_ = 	snop  }
0x4: {  	_ = 	snop  }
0x5: {  	_ = 	snop  }
0x6: {  	_ = 	snop  }
0x7: {  	_ = 	snop  }
__scs_overlays_trampoline_lowered:
0x8: {  	[smem:$0x3FA2] =	sst s0  }
0x9: {  	[smem:$0x3FA3] =	sst s1  }
0xa: {  	[smem:$0x3FA4] =	sst s2  }
0xb: {  	[smem:$0x3FA5] =	sst s3  }
0xc: {  	[smem:$0x3FA6] =	sst s4  }
0xd: {  	[smem:$0x3FA7] =	sst s5  }
0xe: {  	[smem:$0x3FA8] =	sst s6  }
0xf: {  	[smem:$0x3FA9] =	sst s7  }
0x10: {  	[smem:$0x3FAA] =	sst s8  }
0x11: {  	[smem:$0x3FAB] =	sst s9;
	s0 =	simm.s32 @!p0 $0x0  }
0x12: {  	s1 =	sld [smem:$0x3F91];
	s0 =	simm.s32 @p0 $0x1  }
0x13: {  	[smem:$0x3FAC] =	sst s0;
	s0 =	simm.s32 @!p1 $0x0  }
0x14: {  	s2 =	sld [smem:$0x3F90];
	s0 =	simm.s32 @p1 $0x1  }
0x15: {  	[smem:$0x3FAD] =	sst s0;
	s0 =	simm.s32 @!p2 $0x0  }
0x16: {  	s3 =	sld [smem:$0x3FDB];
	s0 =	simm.s32 @p2 $0x1  }
0x17: {  	s4 =	simm.s32 $0x1BF5;
	[smem:$0x3FAF] =	sst s0  }
0x18: {  	s0 =	sld [smem:$0x3F92];
	_ =	swait.ge [sflag:s4], $0x0  }
0x19: {  	s7 =	sld [smem:$0x3F93]  }
0x1a: {  	s8 =	sadd.s32 $0xFFFFE003, lr  }
0x1b: {  	s9 =	sadd.s32 $0xFFFFFEF7, lr;
	s5 =	simm.s32 $0xFFFFFFFF;
	p2 =	slt.u32 s8, $0xFFFFF086  }
0x1c: {  	p1 =	slt.u32 s9, $0xF7A;
	s5 =	simm.s32 @!p2 $0x0  }
0x1d: {  	s5 =	simm.s32 @p1 $0x1;
	p0 =	seq.s32 s7, s2  }
0x1e: {  	s7 =	smul.u32 @!p0 $0xF7A, s2;
	p2 =	seq.s32 @!p0 s5, $0x0  }
0x1f: {  	s9 =	smul.u32 $0xF7A, s1;
	s8 =	simm.s32 @!p0 $0x1BF5;
	p2 =	por !p2, p0  }
0x20: {  	[sflag:s8] =	ssyncset.s32 @!p0 $0xFFFFF086;
	s6 =	sadd.s32 @!p0 s3, s7;
	s7 =	simm.s32 @!p0 $0x108  }
0x21: {  	s3 =	sadd.s32 s3, s9;
	s6 =	sadd.s32 @!p0 $0x88, s6;
	s7 =	simm.s32 @p2 $0x1082  }
0x22: {  	[simem:s7], [sflag:s8] =	dma.local @!p0 [hbm:s6], $0xF7A  }
0x23: {  	s9 =	sor.u32 $0xD0000000, s2;
	s6 =	simm.s32 $0x108;
	_ =	swait.ge @!p0 [sflag:s8], $0x0  }
0x24: {  	s3 =	sadd.s32 $0x88, s3;
	s6 =	simm.s32 @!p1 $0x1082;
	[sflag:s4] =	ssyncset.s32 $0xFFFFF086  }
0x25: {  	[simem:s6], [sflag:s4] =	dma.local [hbm:s3], $0xF7A  }
0x26: {  	[smem:$0x3F93] =	sst s1;
	(tag) =	ssettag s2;
	_ =	strace s9  }
0x27: {  	s1 =	sld [smem:$0x3FA3]  }
0x28: {  	s2 =	sld [smem:$0x3FA4]  }
0x29: {  	s4 =	sld [smem:$0x3FA6]  }
0x2a: {  	p0 =	seq.s32 s5, $0x0;
	s5 =	sld [smem:$0x3FA7]  }
0x2b: {  	s6 =	sld [smem:$0x3FA8]  }
0x2c: {  	s7 =	sld [smem:$0x3FA9]  }
0x2d: {  	s3 =	simm.s32 $0x108;
	s8 =	sld [smem:$0x3FAA]  }
0x2e: {  	s3 =	simm.s32 @!p0 $0x1082;
	s9 =	sld [smem:$0x3FAB]  }
0x2f: {  	lr =	sadd.s32 s0, s3;
	s0 =	sld [smem:$0x3FA2]  }
0x30: {  	s3 =	sld [smem:$0x3FA5]  }
0x31: {  	[smem:$0x3FAE] =	sst s10  }
0x32: {  	s10 =	sld [smem:$0x3FAC];
	_ =	sdelay $0x3  }
0x33: {  	p0 =	seq.s32 s10, $0x1;
	s10 =	sld [smem:$0x3FAE];
	_ =	sdelay $0x3  }
0x34: {  	[smem:$0x3FAE] =	sst s10  }
0x35: {  	s10 =	sld [smem:$0x3FAD];
	_ =	sdelay $0x3  }
0x36: {  	p1 =	seq.s32 s10, $0x1;
	s10 =	sld [smem:$0x3FAE];
	_ =	sdelay $0x3  }
0x37: {  	[smem:$0x3FAE] =	sst s10  }
0x38: {  	s10 =	sld [smem:$0x3FAF]  }
0x39: {  	_ = 	snop;
	(pc) =	sbr.ind lr, $3  }
0x3a: {  	_ = 	snop  }
0x3b: {  	_ = 	snop  }
0x3c: {  	p2 =	seq.s32 s10, $0x1;
	s10 =	sld [smem:$0x3FAE]  }
0x3d: {  	_ =	shalt  }
0x3e: {  	_ =	shalt  }
0x3f: {  	_ =	shalt  }
0x40: {  	_ =	shalt  }
0x41: {  	_ =	shalt  }
0x42: {  	_ =	shalt  }
0x43: {  	_ =	shalt  }
0x44: {  	_ =	shalt  }
0x45: {  	_ =	shalt  }
0x46: {  	_ =	shalt  }
0x47: {  	_ =	shalt  }
0x48: {  	_ =	shalt  }
0x49: {  	_ =	shalt  }
0x4a: {  	_ =	shalt  }
0x4b: {  	_ =	shalt  }
0x4c: {  	_ =	shalt  }
0x4d: {  	_ =	shalt  }
0x4e: {  	_ =	shalt  }
0x4f: {  	_ =	shalt  }
0x50: {  	_ =	shalt  }
0x51: {  	_ =	shalt  }
0x52: {  	_ =	shalt  }
0x53: {  	_ =	shalt  }
0x54: {  	_ =	shalt  }
0x55: {  	_ =	shalt  }
0x56: {  	_ =	shalt  }
0x57: {  	_ =	shalt  }
0x58: {  	_ =	shalt  }
0x59: {  	_ =	shalt  }
0x5a: {  	_ =	shalt  }
0x5b: {  	_ =	shalt  }
0x5c: {  	_ =	shalt  }
0x5d: {  	_ =	shalt  }
0x5e: {  	_ =	shalt  }
0x5f: {  	_ =	shalt  }
0x60: {  	_ =	shalt  }
0x61: {  	_ =	shalt  }
0x62: {  	_ =	shalt  }
0x63: {  	_ =	shalt  }
0x64: {  	_ =	shalt  }
0x65: {  	_ =	shalt  }
0x66: {  	_ =	shalt  }
0x67: {  	_ =	shalt  }
0x68: {  	_ =	shalt  }
0x69: {  	_ =	shalt  }
0x6a: {  	_ =	shalt  }
0x6b: {  	_ =	shalt  }
0x6c: {  	_ =	shalt  }
0x6d: {  	_ =	shalt  }
0x6e: {  	_ =	shalt  }
0x6f: {  	_ =	shalt  }
0x70: {  	_ =	shalt  }
0x71: {  	_ =	shalt  }
0x72: {  	_ =	shalt  }
0x73: {  	_ =	shalt  }
0x74: {  	_ =	shalt  }
0x75: {  	_ =	shalt  }
0x76: {  	_ =	shalt  }
0x77: {  	_ =	shalt  }
0x78: {  	_ =	shalt  }
0x79: {  	_ =	shalt  }
0x7a: {  	_ =	shalt  }
0x7b: {  	_ =	shalt  }
0x7c: {  	_ =	shalt  }
0x7d: {  	_ =	shalt  }
0x7e: {  	_ =	shalt  }
0x7f: {  	_ =	shalt  }
0x80: {  	_ =	shalt  }
0x81: {  	_ =	shalt  }
0x82: {  	_ =	shalt  }
0x83: {  	_ =	shalt  }
0x84: {  	_ =	shalt  }
0x85: {  	_ =	shalt  }
0x86: {  	_ =	shalt  }
0x87: {  	_ =	shalt  }
.Lfunc_end0:
.L_simem_size_0:
called_computation.1_lowered:
.L_overlay_start_0:
0x88: {  	s2 =	sld [smem:$0x3FD9]  }
0x89: {  	s3 =	sld [smem:$0x3FFE];
	_ =	sdelay $0x1  }
0x8a: {  	s1 =	srdreg.scid  }
0x8b: {  	s0 =	sand.u32 $0x1, s1  }
0x8c: {  	s17 =	sshll.u32 s0, $0xA;
	s2 =	sadd.s32 s3, s2  }
0x8d: {  	s2 =	sadd.s32 s2, s17  }
0x8e: {  	[smem:$0x3FBA] =	sst s2  }
0x8f: {  	_ = 	snop  }
0x90: {  	s2 =	sld [smem:$0x3FD0];
	(tm) =	ssettm $0x1  }
0x91: {  	s18 =	sld [smem:$0x3FFB];
	_ =	sdelay $0x3  }
0x92: {  	_ =	strace s18  }
0x93: {  	s3 =	sld [smem:$0x3FFC];
	_ =	sdelay $0x3  }
0x94: {  	_ =	strace s3  }
0x95: {  	s3 =	sld [smem:$0x3FFD];
	_ =	sdelay $0x3  }
0x96: {  	_ =	strace s3  }
0x97: {  	_ =	strace $0x8FFFFFFF  }
0x98: {  	s19 =	sld [smem:$0x3FDB];
	_ =	sdelay $0x1  }
0x99: {  	s4 =	simm.s32 $_scs_section_size  }
0x9a: {  	s5 =	simm.s32 $_size__tile_overlayer_lowered;
	s6 =	simm.s32 $_tile_overlayer_lowered  }
0x9b: {  	s22 =	simm.s32 $0x1BFF;
	s21 =	sshll.u32 s6, $0x1;
	s3 =	sadd.s32 s4, s19  }
0x9c: {  	s7 =	simm.s32 $0x0;
	s20 =	sshll.u32 s5, $0x1;
	s5 =	sadd.s32 s21, s3  }
0x9d: {  	[timem:s7], [sflag:s22] =	dma.local [hbm:s5], s20  }
0x9e: {  	_ =	swait.ge [sflag:s22], s20  }
0x9f: {  	s4 =	ssub.s32 $0x0, s20;
	[sflag:s22] =	ssyncset.done $0x0  }
0xa0: {  	[sflag:s22] =	ssyncadd.s32 s4;
	_ =	sdelay $0x1  }
0xa1: {  	s23 =	simm.s32 $0x1B8B  }
0xa2: {  	_ =	swait.ge [sflag:s23], $0x1  }
0xa3: {  	[sflag:s23] =	ssyncset.done $0x0  }
0xa4: {  	s25 =	simm.s32 $0x1B8E;
	s24 =	sld [smem:$0x3FFE];
	[sflag:s23] =	ssyncadd.s32 $0xFFFFFFFF  }
0xa5: {  	s26 =	simm.s32 $execute0_lowered;
	[smem:$0x3FD2] =	sst s25  }
0xa6: {  	s5 =	sshll.u32 s26, $0x1;
	_ =	strace $0x80000049;
	[dreg:$0x1] =	wrdreg $0xFFFFFFFF  }
0xa7: {  	s28 =	simm.s32 $_size_execute0_lowered;
	s3 =	sadd.s32 s3, s5;
	[dreg:$0x0] =	wrdreg $0x0  }
0xa8: {  	s5 =	sshll.u32 s28, $0x1;
	[dreg:$0x2] =	wrdreg s3  }
0xa9: {  	[dreg:$0x3] =	wrdreg s5  }
0xaa: {  	[dreg:$0x4] =	wrdreg $0xC0  }
0xab: {  	_ =	task [dreg:s7], $0x5FFFF  }
0xac: {  	[dreg:$0x1] =	wrdreg $0xFFFFFFFF  }
0xad: {  	[dreg:$0x0] =	wrdreg $0x60  }
0xae: {  	[dreg:$0x2] =	wrdreg s24  }
0xaf: {  	[dreg:$0x3] =	wrdreg s2  }
0xb0: {  	[dreg:$0x4] =	wrdreg $0x0  }
0xb1: {  	[dreg:$0x5] =	wrdreg $0x9  }
0xb2: {  	_ =	task.clear_ibuf [dreg:s7], $0x6FFFF;
	_ =	strace $0x90000049  }
0xb3: {  	s29 =	simm.s32 $0x9;
	_ =	strace $0x8000004B  }
0xb4: {  	_ =	swait.ge [sflag:s29], $0x1  }
0xb5: {  	[sflag:s29] =	ssyncadd.s32 $0xFFFFFFFF  }
0xb6: {  	_ =	strace $0x9000004B  }
0xb7: {  	_ =	sfence  }
0xb8: {  	s30 =	sld [smem:$0x0];
	_ =	sdelay $0x2  }
0xb9: {  	s31 =	sshll.u32 s1, $0xD;
	s1 =	sshrl.u32 s1, $0x2  }
0xba: {  	s3 =	sand.u32 $0x4000, s31;
	s1 =	sadd.s32 s1, s30  }
0xbb: {  	s0 =	sor.u32 s3, s0;
	s1 =	sshll.u32 s1, $0x11  }
0xbc: {  	s0 =	sor.u32 s1, s0  }
0xbd: {  	s0 =	sadd.s32 $0x8F2B, s0  }
0xbe: {  	[sflag:s0] =	ssyncadd.remote.s32 $0x1  }
0xbf: {  	_ =	sfence.sel $0xFFFF  }
0xc0: {  	[dreg:$0x0] =	wrdreg $0xFFFFFFFF;
	(pc) =	sbr.abs _section_cstart, $3  }
0xc1: {  	[dreg:$0x1] =	wrdreg $0xFFFFFFFF  }
0xc2: {  	_ =	task.clear_ibuf [dreg:s7], $0x2FFFF;
	_ =	strace $0x9FFFFFFF  }
0xc3: {  	(tm) =	ssettm $0x7FFFFFFF  }
tec
execute0_lowered:
.L_overlay_start_1:
0x0: {  	(tag) =	ssettag $0x1  }
0x1: {  	s0 =	rddreg [dreg:$0x0]  }
0x2: {  	s1 =	rddreg [dreg:$0x1]  }
0x3: {  	s2 =	rddreg [dreg:$0x2]  }
0x4: {  	s4 =	srdreg.scid;
	s15 =	stileid.u32  }
0x5: {  	s3 =	simm.s32 $0x0;
	s28 =	simm.s32 $0x2;
	s7 =	smul.u32 $0x4F000, s15  }
0x6: {  	s29 =	simm.s32 $0x4;
	s30 =	simm.s32 $0x5;
	s24 =	smul.u32 $0x2780, s15  }
0x7: {  	s31 =	simm.s32 $0x6;
	s4 =	sand.u32 $0x1, s4;
	s14 =	smul.u32 $0xCC0, s15  }
0x8: {  	s18 =	sshll.u32 s15, $0x1;
	s21 =	sshll.u32 s15, $0x6;
	s15 =	smul.u32 $0xCC, s15  }
0x9: {  	[smem:$0x7FF] =	sst s3;
	s5 =	sadd.s32 $0x412C00, s0;
	s6 =	smul.u32 $0x27800, s4  }
0xa: {  	_ =	strace $0x8000004A;
	s8 =	ssub.s32 $0x2, s4;
	s16 =	smul.u32 $0x66, s4  }
0xb: {  	s9 =	sshrl.u32 s8, $0x1;
	s7 =	sshrl.u32 s7, $0x2;
	s0 =	sadd.s32 s6, s0  }
0xc: {  	s6 =	sor.u32 s4, s18;
	s10 =	ssub.s32 s8, s9;
	s4 =	smul.u32 $0x660, s4  }
0xd: {  	s17 =	sadd.s32 s7, s2;
	s18 =	sadd.s32 s14, s1;
	s12 =	smul.u32 $0x66, s6  }
0xe: {  	s16 =	sadd.s32 s16, s15;
	s19 =	smul.u32 $0x33000, s6;
	s20 =	sadd.s32 s24, s0  }
0xf: {  	s6 =	smul.u32 $0x660, s6;
	s0 =	sadd.s32 $0x2C00, s0;
	s10 =	smax.u32 s10, $0x1  }
0x10: {  	s16 =	sadd.s32 $0x3, s16;
	s17 =	sshrl.u32 s17, $0x3;
	s7 =	sadd.s32 $0x3C3C00, s20  }
0x11: {  	s15 =	sadd.s32 s4, s18;
	s18 =	simm.s32 $0x7;
	s20 =	simm.s32 $0x1BC00  }
0x12: {  	s24 =	sadd.s32 s24, s0;
	s0 =	simm.s32 $0x0;
	[dreg:$0x4] =	wrdreg s7  }
0x13: {  	s7 =	sor.u32 $0x1C07, s21;
	s13 =	sor.u32 $0x1, s12;
	s8 =	sadd.s32 s5, s19  }
0x14: {  	s6 =	sadd.s32 s1, s6;
	s23 =	sadd.s32 $0x2, s12;
	[dreg:$0x5] =	wrdreg s8  }
0x15: {  	s19 =	simm.s32 $0x13C00;
	s21 =	simm.s32 $0x1;
	[dreg:$0x6] =	wrdreg s6  }
0x16: {  	s22 =	smin.u32 s13, $0xCB1;
	s25 =	sshll.u32 s13, $0x4;
	s26 =	smin.u32 s23, $0xCB1  }
0x17: {  	s6 =	sshll.u32 s22, $0xB;
	s12 =	sadd.s32 s1, s25;
	s13 =	sshll.u32 s26, $0xB  }
0x18: {  	s22 =	simm.s32 $0x3;
	s11 =	sadd.s32 s5, s6;
	s6 =	smin.u32 s23, $0xCBF  }
0x19: {  	s25 =	simm.s32 $0x1BC80;
	s26 =	simm.s32 $0x80;
	s6 =	sshll.u32 s6, $0x4  }
0x1a: {  	s13 =	sadd.s32 s5, s13;
	s23 =	simm.s32 $0x17C00;
	s14 =	sadd.s32 s1, s6  }
.LBB2_1:
0x1b: {  	s4 =	rddreg [dreg:$0x4]  }
0x1c: {  	[spmem:s17], [sflag:s7] =	dma.local [hbm:s4], $0x2780  }
0x1d: {  	_ =	swait.ge [sflag:s18], $0x2780  }
0x1e: {  	[sflag:s18] =	ssyncset.done $0x0  }
0x1f: {  	[sflag:s18] =	ssyncadd.s32 $0xFFFFD880  }
0x20: {  	[bflag:$0x0] =	sbarrier.arrive $0xFFFF  }
0x21: {  	s9 =	rddreg [dreg:$0x5]  }
0x22: {  	[tilespmem:s19], [sflag:$0x1] =	stream.linear.gather [hbm4b:s9+s3], $0x4000, $0x38;
	[tilespmem:$0x1BD00] =	vst v63  }
0x23: {  	s6 =	rddreg [dreg:$0x6]  }
0x24: {  	[tilespmem:s20], [sflag:$0x3] =	stream.linear.gather [hbm4b:s6+s3], $0x80, $0x38;
	[tilespmem:$0x1BD00] =	vst v63  }
0x25: {  	_ =	swait.ge [sflag:s21], $0x4000  }
0x26: {  	[sflag:s21] =	ssyncset.done $0x0  }
0x27: {  	[sflag:s21] =	ssyncadd.s32 $0xFFFFC000  }
0x28: {  	_ =	swait.ge [sflag:s22], $0x80  }
0x29: {  	[sflag:s22] =	ssyncset.done $0x0  }
0x2a: {  	[sflag:s22] =	ssyncadd.s32 $0xFFFFFF80  }
0x2b: {  	[tilespmem:s23], [sflag:$0x2] =	stream.linear.gather [hbm4b:s11+s3], $0x4000, $0x38;
	[tilespmem:$0x1BD00] =	vst v63  }
0x2c: {  	_ = 	snop  }
0x2d: {  	[tilespmem:s25], [sflag:$0x4] =	stream.linear.gather [hbm4b:s12+s3], $0x80, $0x38;
	[tilespmem:$0x1BD00] =	vst v63  }
0x2e: {  	_ = 	snop  }
0x2f: {  	[spmem:s2] =	stream.indirect.scatter.add.f32 [tilespmem:s19], [sflag:$0x5], $0x80, s20, s26, $0xb8;
	[tilespmem:$0x1BD00] =	vst v63  }
0x30: {  	_ =	swait.ge [sflag:s28], $0x4000  }
0x31: {  	[sflag:s28] =	ssyncset.done $0x0  }
0x32: {  	[sflag:s28] =	ssyncadd.s32 $0xFFFFC000  }
0x33: {  	_ =	swait.ge [sflag:s29], $0x80  }
0x34: {  	[sflag:s29] =	ssyncset.done $0x0  }
0x35: {  	[sflag:s29] =	ssyncadd.s32 $0xFFFFFF80  }
0x36: {  	_ =	swait.ge [sflag:s30], $0x4000  }
0x37: {  	[sflag:s30] =	ssyncset.done $0x0  }
0x38: {  	[sflag:s30] =	ssyncadd.s32 $0xFFFFC000  }
0x39: {  	[tilespmem:s19], [sflag:$0x1] =	stream.linear.gather [hbm4b:s13+s3], $0x4000, $0x38;
	[tilespmem:$0x1BD00] =	vst v63  }
0x3a: {  	_ = 	snop  }
0x3b: {  	[tilespmem:s20], [sflag:$0x3] =	stream.linear.gather [hbm4b:s14+s3], $0x80, $0x38;
	[tilespmem:$0x1BD00] =	vst v63  }
0x3c: {  	_ = 	snop  }
0x3d: {  	[spmem:s2] =	stream.indirect.scatter.add.f32 [tilespmem:s23], [sflag:$0x6], $0x80, s25, s26, $0xb8;
	[tilespmem:$0x1BD00] =	vst v63  }
0x3e: {  	_ =	swait.ge [sflag:s21], $0x4000  }
0x3f: {  	[sflag:s21] =	ssyncset.done $0x0  }
0x40: {  	[sflag:s21] =	ssyncadd.s32 $0xFFFFC000  }
0x41: {  	_ =	swait.ge [sflag:s22], $0x80  }
0x42: {  	[sflag:s22] =	ssyncset.done $0x0  }
0x43: {  	p0 =	slt.s32 s16, $0xCB1;
	s4 =	smov.u32 s16;
	[sflag:s22] =	ssyncadd.s32 $0xFFFFFF80  }
0x44: {  	s4 =	simm.s32 @!p0 $0xCB1;
	_ =	swait.ge [sflag:s31], $0x4000  }
0x45: {  	s4 =	sshll.u32 s4, $0xB;
	[sflag:s31] =	ssyncset.done $0x0  }
0x46: {  	s4 =	sadd.s32 s5, s4;
	[sflag:s31] =	ssyncadd.s32 $0xFFFFC000  }
0x47: {  	[tilespmem:s23], [sflag:$0x2] =	stream.linear.gather [hbm4b:s4+s3], $0x4000, $0x38;
	[tilespmem:$0x1BD00] =	vst v63  }
0x48: {  	s8 =	sadd.s32 $0x30, s15  }
0x49: {  	[tilespmem:s25], [sflag:$0x4] =	stream.linear.gather [hbm4b:s8+s3], $0x80, $0x38;
	[tilespmem:$0x1BD00] =	vst v63  }
0x4a: {  	_ = 	snop  }
0x4b: {  	[spmem:s2] =	stream.indirect.scatter.add.f32 [tilespmem:s19], [sflag:$0x5], $0x80, s20, s26, $0xb8;
	[tilespmem:$0x1BD00] =	vst v63  }
0x4c: {  	_ =	swait.ge [sflag:s28], $0x4000  }
0x4d: {  	[sflag:s28] =	ssyncset.done $0x0  }
0x4e: {  	[sflag:s28] =	ssyncadd.s32 $0xFFFFC000  }
0x4f: {  	_ =	swait.ge [sflag:s29], $0x80  }
0x50: {  	s4 =	sadd.s32 $0x1, s16;
	[sflag:s29] =	ssyncset.done $0x0  }
0x51: {  	p0 =	slt.s32 s4, $0xCBF;
	p1 =	slt.s32 s4, $0xCB1;
	[sflag:s29] =	ssyncadd.s32 $0xFFFFFF80  }
0x52: {  	s6 =	smov.u32 s4;
	s4 =	simm.s32 @!p1 $0xCB1;
	_ =	swait.ge [sflag:s30], $0x4000  }
0x53: {  	s6 =	simm.s32 @!p0 $0xCBF;
	s4 =	sshll.u32 s4, $0xB;
	[sflag:s30] =	ssyncset.done $0x0  }
0x54: {  	s6 =	sshll.u32 s6, $0x4;
	s4 =	sadd.s32 s5, s4;
	[sflag:s30] =	ssyncadd.s32 $0xFFFFC000  }
0x55: {  	[tilespmem:s19], [sflag:$0x1] =	stream.linear.gather [hbm4b:s4+s3], $0x4000, $0x38;
	[tilespmem:$0x1BD00] =	vst v63  }
0x56: {  	s9 =	sadd.s32 s1, s6  }
0x57: {  	[tilespmem:s20], [sflag:$0x3] =	stream.linear.gather [hbm4b:s9+s3], $0x80, $0x38;
	[tilespmem:$0x1BD00] =	vst v63  }
0x58: {  	s4 =	simm.s32 $0x50;
	s9 =	sadd.s32 $0x2, s16  }
.LBB2_2:
0x59: {  	[spmem:s2] =	stream.indirect.scatter.add.f32 [tilespmem:s23], [sflag:$0x6], $0x80, s25, s26, $0xb8;
	[tilespmem:$0x1BD00] =	vst v63  }
0x5a: {  	s8 =	smov.u32 s4  }
0x5b: {  	p0 =	sne.s32 s4, $0x650;
	s4 =	sadd.s32 $0x20, s4;
	_ =	swait.ge [sflag:s21], $0x4000  }
0x5c: {  	[sflag:s21] =	ssyncset.done $0x0  }
0x5d: {  	[sflag:s21] =	ssyncadd.s32 $0xFFFFC000  }
0x5e: {  	_ =	swait.ge [sflag:s22], $0x80  }
0x5f: {  	[sflag:s22] =	ssyncset.done $0x0  }
0x60: {  	p1 =	slt.s32 s9, $0xCB1;
	s6 =	smov.u32 s9;
	[sflag:s22] =	ssyncadd.s32 $0xFFFFFF80  }
0x61: {  	s6 =	simm.s32 @!p1 $0xCB1;
	_ =	swait.ge [sflag:s31], $0x4000  }
0x62: {  	s6 =	sshll.u32 s6, $0xB;
	[sflag:s31] =	ssyncset.done $0x0  }
0x63: {  	s6 =	sadd.s32 s5, s6;
	[sflag:s31] =	ssyncadd.s32 $0xFFFFC000  }
0x64: {  	[tilespmem:s23], [sflag:$0x2] =	stream.linear.gather [hbm4b:s6+s3], $0x4000, $0x38;
	[tilespmem:$0x1BD00] =	vst v63  }
0x65: {  	s6 =	sadd.s32 s8, s15  }
0x66: {  	[tilespmem:s25], [sflag:$0x4] =	stream.linear.gather [hbm4b:s6+s3], $0x80, $0x38;
	[tilespmem:$0x1BD00] =	vst v63  }
0x67: {  	_ = 	snop  }
0x68: {  	[spmem:s2] =	stream.indirect.scatter.add.f32 [tilespmem:s19], [sflag:$0x5], $0x80, s20, s26, $0xb8;
	[tilespmem:$0x1BD00] =	vst v63  }
0x69: {  	_ =	swait.ge [sflag:s28], $0x4000  }
0x6a: {  	[sflag:s28] =	ssyncset.done $0x0  }
0x6b: {  	[sflag:s28] =	ssyncadd.s32 $0xFFFFC000  }
0x6c: {  	s6 =	sadd.s32 $0x1, s9;
	_ =	swait.ge [sflag:s29], $0x80  }
0x6d: {  	p1 =	slt.s32 s6, $0xCBF;
	[sflag:s29] =	ssyncset.done $0x0  }
0x6e: {  	p2 =	slt.s32 s6, $0xCB1;
	s8 =	smov.u32 s6;
	[sflag:s29] =	ssyncadd.s32 $0xFFFFFF80  }
0x6f: {  	s8 =	simm.s32 @!p1 $0xCBF;
	s6 =	simm.s32 @!p2 $0xCB1;
	_ =	swait.ge [sflag:s30], $0x4000  }
0x70: {  	s6 =	sshll.u32 s6, $0xB;
	s8 =	sshll.u32 s8, $0x4;
	[sflag:s30] =	ssyncset.done $0x0  }
.Ltmp0:
0x71: {  	s6 =	sadd.s32 s5, s6;
	[sflag:s30] =	ssyncadd.s32 $0xFFFFC000;
	(pc) =	sbr.rel @p0 .LBB2_2-.Ltmp0, $4  }
0x72: {  	[tilespmem:s19], [sflag:$0x1] =	stream.linear.gather [hbm4b:s6+s3], $0x4000, $0x38;
	[tilespmem:$0x1BD00] =	vst v63  }
0x73: {  	s6 =	sadd.s32 s1, s8  }
0x74: {  	[tilespmem:s20], [sflag:$0x3] =	stream.linear.gather [hbm4b:s6+s3], $0x80, $0x38;
	[tilespmem:$0x1BD00] =	vst v63  }
0x75: {  	s9 =	sadd.s32 $0x2, s9  }
0x76: {  	[spmem:s2] =	stream.indirect.scatter.add.f32 [tilespmem:s23], [sflag:$0x6], $0x80, s25, s26, $0xb8;
	[tilespmem:$0x1BD00] =	vst v63  }
0x77: {  	_ =	swait.ge [sflag:s31], $0x4000  }
0x78: {  	[sflag:s31] =	ssyncset.done $0x0  }
0x79: {  	[sflag:s31] =	ssyncadd.s32 $0xFFFFC000  }
0x7a: {  	_ =	swait.ge [sflag:s21], $0x4000  }
0x7b: {  	[sflag:s21] =	ssyncset.done $0x0  }
0x7c: {  	[sflag:s21] =	ssyncadd.s32 $0xFFFFC000  }
0x7d: {  	_ =	swait.ge [sflag:s22], $0x80  }
0x7e: {  	s0 =	sadd.s32 $0x1, s0;
	[sflag:s22] =	ssyncset.done $0x0  }
0x7f: {  	p0 =	sne.s32 s0, s10;
	[sflag:s22] =	ssyncadd.s32 $0xFFFFFF80  }
.Ltmp1:
0x80: {  	[bflag:$0x0] =	sbarrier.arrive $0xFFFF;
	(pc) =	sbr.rel @p0 .LBB2_1-.Ltmp1, $4  }
0x81: {  	[hbm:s24], [sflag:s7] =	dma.local [spmem:s17], $0x2780  }
0x82: {  	_ =	swait.ge [sflag:s18], $0x2780  }
0x83: {  	[sflag:s18] =	ssyncset.done $0x0  }
0x84: {  	[sflag:s18] =	ssyncadd.s32 $0xFFFFD880  }
0x85: {  	_ =	sfence.sel $0x180000  }
0x86: {  	[bflag:$0x0] =	sbarrier.arrive $0xFFFF  }
0x87: {  	_ =	strace $0x9000004A  }
0x88: {  	s0 =	stileid.u32;
	[bflag:$0x2] =	sbarrier.arrive $0xFFFF  }
0x89: {  	p0 =	sne.s32 s0, $0x0;
	s0 =	rddreg [dreg:$0x3]  }
0x8a: {  	s0 =	sadd.s32 @!p0 $0x100000, s0  }
0x8b: {  	[sflag:s0] =	ssyncadd.tile.s32 @!p0 $0x1;
	_ =	shalt  }
.Lfunc_end2:
_tile_overlayer_lowered:
.L_overlay_start_2:
0x8c: {  	(tag) =	ssettag $0x2  }
0x8d: {  	s0 =	rddreg [dreg:$0x0];
	s2 =	stileid.u32  }
0x8e: {  	s1 =	rddreg [dreg:$0x1];
	p0 =	sne.s32 s2, $0x0  }
0x8f: {  	s3 =	rddreg [dreg:$0x2];
	[bflag:$0x3] =	sbarrier.arrive $0xFFFF;
	s2 =	simm.s32 @!p0 $0x1C07  }
0x90: {  	[timem:s3], [sflag:s2] =	dma.local @!p0 [hbm:s0], s1  }
0x91: {  	s0 =	simm.s32 @!p0 $0x7  }
0x92: {  	_ =	swait.ge @!p0 [sflag:s0], s1  }
0x93: {  	s1 =	ssub.s32 @!p0 $0x0, s1;
	[sflag:s0] =	ssyncset.done @!p0 $0x0  }
0x94: {  	[sflag:s0] =	ssyncadd.s32 @!p0 s1  }
0x95: {  	[bflag:$0x3] =	sbarrier.arrive $0xFFFF  }
0x96: {  	_ =	shalt  }

// kernel: kernel.8.cloned.1.call-start
scs
__scs_entry_jumppad:
0x0: {  	(pc) =	sbr.rel $0x88, $3  }
0x1: {  	(tag) =	ssettag $0x0;
	lr =	simm.s32 $0x1  }
0x2: {  	[smem:$0x3F93] =	sst lr;
	_ =	strace $0xD0000000  }
0x3: {  	_ = 	snop  }
0x4: {  	_ = 	snop  }
0x5: {  	_ = 	snop  }
0x6: {  	_ = 	snop  }
0x7: {  	_ = 	snop  }
__scs_overlays_trampoline_lowered:
0x8: {  	[smem:$0x3FA2] =	sst s0  }
0x9: {  	[smem:$0x3FA3] =	sst s1  }
0xa: {  	[smem:$0x3FA4] =	sst s2  }
0xb: {  	[smem:$0x3FA5] =	sst s3  }
0xc: {  	[smem:$0x3FA6] =	sst s4  }
0xd: {  	[smem:$0x3FA7] =	sst s5  }
0xe: {  	[smem:$0x3FA8] =	sst s6  }
0xf: {  	[smem:$0x3FA9] =	sst s7  }
0x10: {  	[smem:$0x3FAA] =	sst s8  }
0x11: {  	[smem:$0x3FAB] =	sst s9;
	s0 =	simm.s32 @!p0 $0x0  }
0x12: {  	s1 =	sld [smem:$0x3F91];
	s0 =	simm.s32 @p0 $0x1  }
0x13: {  	[smem:$0x3FAC] =	sst s0;
	s0 =	simm.s32 @!p1 $0x0  }
0x14: {  	s2 =	sld [smem:$0x3F90];
	s0 =	simm.s32 @p1 $0x1  }
0x15: {  	[smem:$0x3FAD] =	sst s0;
	s0 =	simm.s32 @!p2 $0x0  }
0x16: {  	s3 =	sld [smem:$0x3FDB];
	s0 =	simm.s32 @p2 $0x1  }
0x17: {  	s4 =	simm.s32 $0x1BF5;
	[smem:$0x3FAF] =	sst s0  }
0x18: {  	s0 =	sld [smem:$0x3F92];
	_ =	swait.ge [sflag:s4], $0x0  }
0x19: {  	s7 =	sld [smem:$0x3F93]  }
0x1a: {  	s8 =	sadd.s32 $0xFFFFE003, lr  }
0x1b: {  	s9 =	sadd.s32 $0xFFFFFEF7, lr;
	s5 =	simm.s32 $0xFFFFFFFF;
	p2 =	slt.u32 s8, $0xFFFFF086  }
0x1c: {  	p1 =	slt.u32 s9, $0xF7A;
	s5 =	simm.s32 @!p2 $0x0  }
0x1d: {  	s5 =	simm.s32 @p1 $0x1;
	p0 =	seq.s32 s7, s2  }
0x1e: {  	s7 =	smul.u32 @!p0 $0xF7A, s2;
	p2 =	seq.s32 @!p0 s5, $0x0  }
0x1f: {  	s9 =	smul.u32 $0xF7A, s1;
	s8 =	simm.s32 @!p0 $0x1BF5;
	p2 =	por !p2, p0  }
0x20: {  	[sflag:s8] =	ssyncset.s32 @!p0 $0xFFFFF086;
	s6 =	sadd.s32 @!p0 s3, s7;
	s7 =	simm.s32 @!p0 $0x108  }
0x21: {  	s3 =	sadd.s32 s3, s9;
	s6 =	sadd.s32 @!p0 $0x88, s6;
	s7 =	simm.s32 @p2 $0x1082  }
0x22: {  	[simem:s7], [sflag:s8] =	dma.local @!p0 [hbm:s6], $0xF7A  }
0x23: {  	s9 =	sor.u32 $0xD0000000, s2;
	s6 =	simm.s32 $0x108;
	_ =	swait.ge @!p0 [sflag:s8], $0x0  }
0x24: {  	s3 =	sadd.s32 $0x88, s3;
	s6 =	simm.s32 @!p1 $0x1082;
	[sflag:s4] =	ssyncset.s32 $0xFFFFF086  }
0x25: {  	[simem:s6], [sflag:s4] =	dma.local [hbm:s3], $0xF7A  }
0x26: {  	[smem:$0x3F93] =	sst s1;
	(tag) =	ssettag s2;
	_ =	strace s9  }
0x27: {  	s1 =	sld [smem:$0x3FA3]  }
0x28: {  	s2 =	sld [smem:$0x3FA4]  }
0x29: {  	s4 =	sld [smem:$0x3FA6]  }
0x2a: {  	p0 =	seq.s32 s5, $0x0;
	s5 =	sld [smem:$0x3FA7]  }
0x2b: {  	s6 =	sld [smem:$0x3FA8]  }
0x2c: {  	s7 =	sld [smem:$0x3FA9]  }
0x2d: {  	s3 =	simm.s32 $0x108;
	s8 =	sld [smem:$0x3FAA]  }
0x2e: {  	s3 =	simm.s32 @!p0 $0x1082;
	s9 =	sld [smem:$0x3FAB]  }
0x2f: {  	lr =	sadd.s32 s0, s3;
	s0 =	sld [smem:$0x3FA2]  }
0x30: {  	s3 =	sld [smem:$0x3FA5]  }
0x31: {  	[smem:$0x3FAE] =	sst s10  }
0x32: {  	s10 =	sld [smem:$0x3FAC];
	_ =	sdelay $0x3  }
0x33: {  	p0 =	seq.s32 s10, $0x1;
	s10 =	sld [smem:$0x3FAE];
	_ =	sdelay $0x3  }
0x34: {  	[smem:$0x3FAE] =	sst s10  }
0x35: {  	s10 =	sld [smem:$0x3FAD];
	_ =	sdelay $0x3  }
0x36: {  	p1 =	seq.s32 s10, $0x1;
	s10 =	sld [smem:$0x3FAE];
	_ =	sdelay $0x3  }
0x37: {  	[smem:$0x3FAE] =	sst s10  }
0x38: {  	s10 =	sld [smem:$0x3FAF]  }
0x39: {  	_ = 	snop;
	(pc) =	sbr.ind lr, $3  }
0x3a: {  	_ = 	snop  }
0x3b: {  	_ = 	snop  }
0x3c: {  	p2 =	seq.s32 s10, $0x1;
	s10 =	sld [smem:$0x3FAE]  }
0x3d: {  	_ =	shalt  }
0x3e: {  	_ =	shalt  }
0x3f: {  	_ =	shalt  }
0x40: {  	_ =	shalt  }
0x41: {  	_ =	shalt  }
0x42: {  	_ =	shalt  }
0x43: {  	_ =	shalt  }
0x44: {  	_ =	shalt  }
0x45: {  	_ =	shalt  }
0x46: {  	_ =	shalt  }
0x47: {  	_ =	shalt  }
0x48: {  	_ =	shalt  }
0x49: {  	_ =	shalt  }
0x4a: {  	_ =	shalt  }
0x4b: {  	_ =	shalt  }
0x4c: {  	_ =	shalt  }
0x4d: {  	_ =	shalt  }
0x4e: {  	_ =	shalt  }
0x4f: {  	_ =	shalt  }
0x50: {  	_ =	shalt  }
0x51: {  	_ =	shalt  }
0x52: {  	_ =	shalt  }
0x53: {  	_ =	shalt  }
0x54: {  	_ =	shalt  }
0x55: {  	_ =	shalt  }
0x56: {  	_ =	shalt  }
0x57: {  	_ =	shalt  }
0x58: {  	_ =	shalt  }
0x59: {  	_ =	shalt  }
0x5a: {  	_ =	shalt  }
0x5b: {  	_ =	shalt  }
0x5c: {  	_ =	shalt  }
0x5d: {  	_ =	shalt  }
0x5e: {  	_ =	shalt  }
0x5f: {  	_ =	shalt  }
0x60: {  	_ =	shalt  }
0x61: {  	_ =	shalt  }
0x62: {  	_ =	shalt  }
0x63: {  	_ =	shalt  }
0x64: {  	_ =	shalt  }
0x65: {  	_ =	shalt  }
0x66: {  	_ =	shalt  }
0x67: {  	_ =	shalt  }
0x68: {  	_ =	shalt  }
0x69: {  	_ =	shalt  }
0x6a: {  	_ =	shalt  }
0x6b: {  	_ =	shalt  }
0x6c: {  	_ =	shalt  }
0x6d: {  	_ =	shalt  }
0x6e: {  	_ =	shalt  }
0x6f: {  	_ =	shalt  }
0x70: {  	_ =	shalt  }
0x71: {  	_ =	shalt  }
0x72: {  	_ =	shalt  }
0x73: {  	_ =	shalt  }
0x74: {  	_ =	shalt  }
0x75: {  	_ =	shalt  }
0x76: {  	_ =	shalt  }
0x77: {  	_ =	shalt  }
0x78: {  	_ =	shalt  }
0x79: {  	_ =	shalt  }
0x7a: {  	_ =	shalt  }
0x7b: {  	_ =	shalt  }
0x7c: {  	_ =	shalt  }
0x7d: {  	_ =	shalt  }
0x7e: {  	_ =	shalt  }
0x7f: {  	_ =	shalt  }
0x80: {  	_ =	shalt  }
0x81: {  	_ =	shalt  }
0x82: {  	_ =	shalt  }
0x83: {  	_ =	shalt  }
0x84: {  	_ =	shalt  }
0x85: {  	_ =	shalt  }
0x86: {  	_ =	shalt  }
0x87: {  	_ =	shalt  }
.Lfunc_end0:
.L_simem_size_0:
called_computation_lowered:
.L_overlay_start_0:
0x88: {  	s2 =	sld [smem:$0x3FD9]  }
0x89: {  	s3 =	sld [smem:$0x3FFE];
	_ =	sdelay $0x1  }
0x8a: {  	s1 =	srdreg.scid  }
0x8b: {  	s0 =	sand.u32 $0x1, s1  }
0x8c: {  	s16 =	sshll.u32 s0, $0xA;
	s2 =	sadd.s32 s3, s2  }
0x8d: {  	s2 =	sadd.s32 s2, s16  }
0x8e: {  	[smem:$0x3FBA] =	sst s2  }
0x8f: {  	_ = 	snop  }
0x90: {  	(tm) =	ssettm $0x1  }
0x91: {  	s17 =	sld [smem:$0x3FFB];
	_ =	sdelay $0x3  }
0x92: {  	_ =	strace s17  }
0x93: {  	s2 =	sld [smem:$0x3FFC];
	_ =	sdelay $0x3  }
0x94: {  	_ =	strace s2  }
0x95: {  	s2 =	sld [smem:$0x3FFD];
	_ =	sdelay $0x3  }
0x96: {  	_ =	strace s2  }
0x97: {  	_ =	strace $0x8FFFFFFF  }
0x98: {  	s18 =	sld [smem:$0x3FDB];
	_ =	sdelay $0x1  }
0x99: {  	s19 =	simm.s32 $_scs_section_size  }
0x9a: {  	s4 =	simm.s32 $_size__tile_overlayer_lowered;
	s5 =	simm.s32 $_tile_overlayer_lowered  }
0x9b: {  	s22 =	simm.s32 $0x1BFF;
	s21 =	sshll.u32 s5, $0x1;
	s2 =	sadd.s32 s19, s18  }
0x9c: {  	s6 =	simm.s32 $0x0;
	s20 =	sshll.u32 s4, $0x1;
	s4 =	sadd.s32 s21, s2  }
0x9d: {  	[timem:s6], [sflag:s22] =	dma.local [hbm:s4], s20  }
0x9e: {  	_ =	swait.ge [sflag:s22], s20  }
0x9f: {  	s3 =	ssub.s32 $0x0, s20;
	[sflag:s22] =	ssyncset.done $0x0  }
0xa0: {  	[sflag:s22] =	ssyncadd.s32 s3;
	_ =	sdelay $0x1  }
0xa1: {  	s23 =	simm.s32 $0x1B8B  }
0xa2: {  	_ =	swait.ge [sflag:s23], $0x1  }
0xa3: {  	[sflag:s23] =	ssyncset.done $0x0  }
0xa4: {  	s25 =	simm.s32 $0x1B8E;
	s24 =	sld [smem:$0x3FFE];
	[sflag:s23] =	ssyncadd.s32 $0xFFFFFFFF  }
0xa5: {  	s26 =	simm.s32 $execute0_lowered;
	[smem:$0x3FD2] =	sst s25  }
0xa6: {  	s4 =	sshll.u32 s26, $0x1;
	_ =	strace $0x80000046;
	[dreg:$0x1] =	wrdreg $0xFFFFFFFF  }
0xa7: {  	s28 =	simm.s32 $_size_execute0_lowered;
	s2 =	sadd.s32 s2, s4;
	[dreg:$0x0] =	wrdreg $0x0  }
0xa8: {  	s4 =	sshll.u32 s28, $0x1;
	[dreg:$0x2] =	wrdreg s2  }
0xa9: {  	[dreg:$0x3] =	wrdreg s4  }
0xaa: {  	[dreg:$0x4] =	wrdreg $0xC0  }
0xab: {  	_ =	task [dreg:s6], $0x5FFFF  }
0xac: {  	[dreg:$0x1] =	wrdreg $0xFFFFFFFF  }
0xad: {  	[dreg:$0x0] =	wrdreg $0x60  }
0xae: {  	[dreg:$0x2] =	wrdreg s24  }
0xaf: {  	[dreg:$0x3] =	wrdreg $0x0  }
0xb0: {  	[dreg:$0x4] =	wrdreg $0x9  }
0xb1: {  	_ =	task.clear_ibuf [dreg:s6], $0x5FFFF;
	_ =	strace $0x90000046  }
0xb2: {  	s29 =	simm.s32 $0x9;
	_ =	strace $0x80000048  }
0xb3: {  	_ =	swait.ge [sflag:s29], $0x1  }
0xb4: {  	[sflag:s29] =	ssyncadd.s32 $0xFFFFFFFF  }
0xb5: {  	_ =	strace $0x90000048  }
0xb6: {  	_ =	sfence  }
0xb7: {  	s30 =	sld [smem:$0x0];
	_ =	sdelay $0x2  }
0xb8: {  	s31 =	sshll.u32 s1, $0xD;
	s1 =	sshrl.u32 s1, $0x2  }
0xb9: {  	s3 =	sand.u32 $0x4000, s31;
	s1 =	sadd.s32 s1, s30  }
0xba: {  	s0 =	sor.u32 s3, s0;
	s1 =	sshll.u32 s1, $0x11  }
0xbb: {  	s0 =	sor.u32 s1, s0  }
0xbc: {  	s0 =	sadd.s32 $0x8F2B, s0  }
0xbd: {  	[sflag:s0] =	ssyncadd.remote.s32 $0x1  }
0xbe: {  	_ =	sfence.sel $0xFFFF  }
0xbf: {  	[dreg:$0x0] =	wrdreg $0xFFFFFFFF;
	(pc) =	sbr.abs _section_cstart, $3  }
0xc0: {  	[dreg:$0x1] =	wrdreg $0xFFFFFFFF  }
0xc1: {  	_ =	task.clear_ibuf [dreg:s6], $0x2FFFF;
	_ =	strace $0x9FFFFFFF  }
0xc2: {  	(tm) =	ssettm $0x7FFFFFFF  }
0xc3: {  	_ =	shalt  }
tec
execute0_lowered:
.L_overlay_start_1:
0x0: {  	(tag) =	ssettag $0x1  }
0x1: {  	s0 =	rddreg [dreg:$0x0]  }
0x2: {  	s1 =	rddreg [dreg:$0x1]  }
0x3: {  	s2 =	simm.s32 $0x0;
	s3 =	srdreg.scid;
	s15 =	stileid.u32  }
0x4: {  	s28 =	simm.s32 $0x2;
	s29 =	simm.s32 $0x4;
	s7 =	smul.u32 $0x4F000, s15  }
0x5: {  	s30 =	simm.s32 $0x5;
	s31 =	simm.s32 $0x6;
	s24 =	smul.u32 $0x2780, s15  }
0x6: {  	[smem:$0x7FF] =	sst s2;
	s3 =	sand.u32 $0x1, s3;
	s14 =	smul.u32 $0x700, s15  }
0x7: {  	s18 =	sshll.u32 s15, $0x1;
	s21 =	sshll.u32 s15, $0x6;
	s15 =	smul.u32 $0x70, s15  }
0x8: {  	s4 =	sadd.s32 $0x9C00, s0;
	s5 =	sadd.s32 $0x2C00, s0;
	s6 =	smul.u32 $0x27800, s3  }
0x9: {  	_ =	strace $0x80000047;
	s8 =	ssub.s32 $0x2, s3;
	s16 =	smul.u32 $0x38, s3  }
0xa: {  	s9 =	sshrl.u32 s8, $0x1;
	s7 =	sshrl.u32 s7, $0x2;
	s0 =	sadd.s32 s6, s0  }
0xb: {  	s6 =	sor.u32 s3, s18;
	s10 =	ssub.s32 s8, s9;
	s3 =	smul.u32 $0x380, s3  }
0xc: {  	s17 =	sadd.s32 s7, s1;
	s18 =	sadd.s32 s14, s5;
	s12 =	smul.u32 $0x38, s6  }
0xd: {  	s16 =	sadd.s32 s16, s15;
	s19 =	smul.u32 $0x1C000, s6;
	s20 =	sadd.s32 s24, s0  }
0xe: {  	s6 =	smul.u32 $0x380, s6;
	s0 =	sadd.s32 $0x3C3C00, s0;
	s10 =	smax.u32 s10, $0x1  }
0xf: {  	s16 =	sor.u32 $0x3, s16;
	s17 =	sshrl.u32 s17, $0x3;
	s7 =	sadd.s32 $0x374C00, s20  }
0x10: {  	s15 =	sadd.s32 s3, s18;
	s18 =	simm.s32 $0x7;
	s20 =	simm.s32 $0x1BC00  }
0x11: {  	s24 =	sadd.s32 s24, s0;
	s0 =	simm.s32 $0x0;
	[dreg:$0x3] =	wrdreg s7  }
0x12: {  	s7 =	sor.u32 $0x1C07, s21;
	s13 =	sor.u32 $0x1, s12;
	s8 =	sadd.s32 s4, s19  }
0x13: {  	s6 =	sadd.s32 s5, s6;
	s23 =	sor.u32 $0x2, s12;
	[dreg:$0x4] =	wrdreg s8  }
0x14: {  	s19 =	simm.s32 $0x13C00;
	s21 =	simm.s32 $0x1;
	[dreg:$0x5] =	wrdreg s6  }
0x15: {  	s22 =	smin.u32 s13, $0x6D5;
	s25 =	sshll.u32 s13, $0x4;
	s26 =	smin.u32 s23, $0x6D5  }
0x16: {  	s6 =	sshll.u32 s22, $0xB;
	s12 =	sadd.s32 s5, s25;
	s13 =	sshll.u32 s26, $0xB  }
0x17: {  	s22 =	simm.s32 $0x3;
	s11 =	sadd.s32 s4, s6;
	s6 =	smin.u32 s23, $0x6FF  }
0x18: {  	s25 =	simm.s32 $0x1BC80;
	s26 =	simm.s32 $0x80;
	s6 =	sshll.u32 s6, $0x4  }
0x19: {  	s13 =	sadd.s32 s4, s13;
	s23 =	simm.s32 $0x17C00;
	s14 =	sadd.s32 s5, s6  }
.LBB2_1:
0x1a: {  	s3 =	rddreg [dreg:$0x3]  }
0x1b: {  	[spmem:s17], [sflag:s7] =	dma.local [hbm:s3], $0x2780  }
0x1c: {  	_ =	swait.ge [sflag:s18], $0x2780  }
0x1d: {  	[sflag:s18] =	ssyncset.done $0x0  }
0x1e: {  	[sflag:s18] =	ssyncadd.s32 $0xFFFFD880  }
0x1f: {  	[bflag:$0x0] =	sbarrier.arrive $0xFFFF  }
0x20: {  	s9 =	rddreg [dreg:$0x4]  }
0x21: {  	[tilespmem:s19], [sflag:$0x1] =	stream.linear.gather [hbm4b:s9+s2], $0x4000, $0x38;
	[tilespmem:$0x1BD00] =	vst v63  }
0x22: {  	s6 =	rddreg [dreg:$0x5]  }
0x23: {  	[tilespmem:s20], [sflag:$0x3] =	stream.linear.gather [hbm4b:s6+s2], $0x80, $0x38;
	[tilespmem:$0x1BD00] =	vst v63  }
0x24: {  	_ =	swait.ge [sflag:s21], $0x4000  }
0x25: {  	[sflag:s21] =	ssyncset.done $0x0  }
0x26: {  	[sflag:s21] =	ssyncadd.s32 $0xFFFFC000  }
0x27: {  	_ =	swait.ge [sflag:s22], $0x80  }
0x28: {  	[sflag:s22] =	ssyncset.done $0x0  }
0x29: {  	[sflag:s22] =	ssyncadd.s32 $0xFFFFFF80  }
0x2a: {  	[tilespmem:s23], [sflag:$0x2] =	stream.linear.gather [hbm4b:s11+s2], $0x4000, $0x38;
	[tilespmem:$0x1BD00] =	vst v63  }
0x2b: {  	_ = 	snop  }
0x2c: {  	[tilespmem:s25], [sflag:$0x4] =	stream.linear.gather [hbm4b:s12+s2], $0x80, $0x38;
	[tilespmem:$0x1BD00] =	vst v63  }
0x2d: {  	_ = 	snop  }
0x2e: {  	[spmem:s1] =	stream.indirect.scatter.add.f32 [tilespmem:s19], [sflag:$0x5], $0x80, s20, s26, $0xb8;
	[tilespmem:$0x1BD00] =	vst v63  }
0x2f: {  	_ =	swait.ge [sflag:s28], $0x4000  }
0x30: {  	[sflag:s28] =	ssyncset.done $0x0  }
0x31: {  	[sflag:s28] =	ssyncadd.s32 $0xFFFFC000  }
0x32: {  	_ =	swait.ge [sflag:s29], $0x80  }
0x33: {  	[sflag:s29] =	ssyncset.done $0x0  }
0x34: {  	[sflag:s29] =	ssyncadd.s32 $0xFFFFFF80  }
0x35: {  	_ =	swait.ge [sflag:s30], $0x4000  }
0x36: {  	[sflag:s30] =	ssyncset.done $0x0  }
0x37: {  	[sflag:s30] =	ssyncadd.s32 $0xFFFFC000  }
0x38: {  	[tilespmem:s19], [sflag:$0x1] =	stream.linear.gather [hbm4b:s13+s2], $0x4000, $0x38;
	[tilespmem:$0x1BD00] =	vst v63  }
0x39: {  	_ = 	snop  }
0x3a: {  	[tilespmem:s20], [sflag:$0x3] =	stream.linear.gather [hbm4b:s14+s2], $0x80, $0x38;
	[tilespmem:$0x1BD00] =	vst v63  }
0x3b: {  	_ = 	snop  }
0x3c: {  	[spmem:s1] =	stream.indirect.scatter.add.f32 [tilespmem:s23], [sflag:$0x6], $0x80, s25, s26, $0xb8;
	[tilespmem:$0x1BD00] =	vst v63  }
0x3d: {  	_ =	swait.ge [sflag:s21], $0x4000  }
0x3e: {  	[sflag:s21] =	ssyncset.done $0x0  }
0x3f: {  	[sflag:s21] =	ssyncadd.s32 $0xFFFFC000  }
0x40: {  	_ =	swait.ge [sflag:s22], $0x80  }
0x41: {  	[sflag:s22] =	ssyncset.done $0x0  }
0x42: {  	p0 =	slt.s32 s16, $0x6D5;
	s3 =	smov.u32 s16;
	[sflag:s22] =	ssyncadd.s32 $0xFFFFFF80  }
0x43: {  	s3 =	simm.s32 @!p0 $0x6D5;
	_ =	swait.ge [sflag:s31], $0x4000  }
0x44: {  	s3 =	sshll.u32 s3, $0xB;
	[sflag:s31] =	ssyncset.done $0x0  }
0x45: {  	s3 =	sadd.s32 s4, s3;
	[sflag:s31] =	ssyncadd.s32 $0xFFFFC000  }
0x46: {  	[tilespmem:s23], [sflag:$0x2] =	stream.linear.gather [hbm4b:s3+s2], $0x4000, $0x38;
	[tilespmem:$0x1BD00] =	vst v63  }
0x47: {  	s8 =	sadd.s32 $0x30, s15  }
0x48: {  	[tilespmem:s25], [sflag:$0x4] =	stream.linear.gather [hbm4b:s8+s2], $0x80, $0x38;
	[tilespmem:$0x1BD00] =	vst v63  }
0x49: {  	_ = 	snop  }
0x4a: {  	[spmem:s1] =	stream.indirect.scatter.add.f32 [tilespmem:s19], [sflag:$0x5], $0x80, s20, s26, $0xb8;
	[tilespmem:$0x1BD00] =	vst v63  }
0x4b: {  	_ =	swait.ge [sflag:s28], $0x4000  }
0x4c: {  	[sflag:s28] =	ssyncset.done $0x0  }
0x4d: {  	[sflag:s28] =	ssyncadd.s32 $0xFFFFC000  }
0x4e: {  	_ =	swait.ge [sflag:s29], $0x80  }
0x4f: {  	s3 =	sadd.s32 $0x1, s16;
	[sflag:s29] =	ssyncset.done $0x0  }
0x50: {  	p0 =	slt.s32 s3, $0x6FF;
	p1 =	slt.s32 s3, $0x6D5;
	[sflag:s29] =	ssyncadd.s32 $0xFFFFFF80  }
0x51: {  	s6 =	smov.u32 s3;
	s3 =	simm.s32 @!p1 $0x6D5;
	_ =	swait.ge [sflag:s30], $0x4000  }
0x52: {  	s6 =	simm.s32 @!p0 $0x6FF;
	s3 =	sshll.u32 s3, $0xB;
	[sflag:s30] =	ssyncset.done $0x0  }
0x53: {  	s6 =	sshll.u32 s6, $0x4;
	s3 =	sadd.s32 s4, s3;
	[sflag:s30] =	ssyncadd.s32 $0xFFFFC000  }
0x54: {  	[tilespmem:s19], [sflag:$0x1] =	stream.linear.gather [hbm4b:s3+s2], $0x4000, $0x38;
	[tilespmem:$0x1BD00] =	vst v63  }
0x55: {  	s9 =	sadd.s32 s5, s6  }
0x56: {  	[tilespmem:s20], [sflag:$0x3] =	stream.linear.gather [hbm4b:s9+s2], $0x80, $0x38;
	[tilespmem:$0x1BD00] =	vst v63  }
0x57: {  	s3 =	simm.s32 $0x50;
	s9 =	sadd.s32 $0x2, s16  }
.LBB2_2:
0x58: {  	[spmem:s1] =	stream.indirect.scatter.add.f32 [tilespmem:s23], [sflag:$0x6], $0x80, s25, s26, $0xb8;
	[tilespmem:$0x1BD00] =	vst v63  }
0x59: {  	s8 =	smov.u32 s3  }
0x5a: {  	p0 =	sne.s32 s3, $0x370;
	s3 =	sadd.s32 $0x20, s3;
	_ =	swait.ge [sflag:s21], $0x4000  }
0x5b: {  	[sflag:s21] =	ssyncset.done $0x0  }
0x5c: {  	[sflag:s21] =	ssyncadd.s32 $0xFFFFC000  }
0x5d: {  	_ =	swait.ge [sflag:s22], $0x80  }
0x5e: {  	[sflag:s22] =	ssyncset.done $0x0  }
0x5f: {  	p1 =	slt.s32 s9, $0x6D5;
	s6 =	smov.u32 s9;
	[sflag:s22] =	ssyncadd.s32 $0xFFFFFF80  }
0x60: {  	s6 =	simm.s32 @!p1 $0x6D5;
	_ =	swait.ge [sflag:s31], $0x4000  }
0x61: {  	s6 =	sshll.u32 s6, $0xB;
	[sflag:s31] =	ssyncset.done $0x0  }
0x62: {  	s6 =	sadd.s32 s4, s6;
	[sflag:s31] =	ssyncadd.s32 $0xFFFFC000  }
0x63: {  	[tilespmem:s23], [sflag:$0x2] =	stream.linear.gather [hbm4b:s6+s2], $0x4000, $0x38;
	[tilespmem:$0x1BD00] =	vst v63  }
0x64: {  	s6 =	sadd.s32 s8, s15  }
0x65: {  	[tilespmem:s25], [sflag:$0x4] =	stream.linear.gather [hbm4b:s6+s2], $0x80, $0x38;
	[tilespmem:$0x1BD00] =	vst v63  }
0x66: {  	_ = 	snop  }
0x67: {  	[spmem:s1] =	stream.indirect.scatter.add.f32 [tilespmem:s19], [sflag:$0x5], $0x80, s20, s26, $0xb8;
	[tilespmem:$0x1BD00] =	vst v63  }
0x68: {  	_ =	swait.ge [sflag:s28], $0x4000  }
0x69: {  	[sflag:s28] =	ssyncset.done $0x0  }
0x6a: {  	[sflag:s28] =	ssyncadd.s32 $0xFFFFC000  }
0x6b: {  	s6 =	sadd.s32 $0x1, s9;
	_ =	swait.ge [sflag:s29], $0x80  }
0x6c: {  	p1 =	slt.s32 s6, $0x6FF;
	[sflag:s29] =	ssyncset.done $0x0  }
0x6d: {  	p2 =	slt.s32 s6, $0x6D5;
	s8 =	smov.u32 s6;
	[sflag:s29] =	ssyncadd.s32 $0xFFFFFF80  }
0x6e: {  	s8 =	simm.s32 @!p1 $0x6FF;
	s6 =	simm.s32 @!p2 $0x6D5;
	_ =	swait.ge [sflag:s30], $0x4000  }
0x6f: {  	s6 =	sshll.u32 s6, $0xB;
	s8 =	sshll.u32 s8, $0x4;
	[sflag:s30] =	ssyncset.done $0x0  }
.Ltmp0:
0x70: {  	s6 =	sadd.s32 s4, s6;
	[sflag:s30] =	ssyncadd.s32 $0xFFFFC000;
	(pc) =	sbr.rel @p0 .LBB2_2-.Ltmp0, $4  }
0x71: {  	[tilespmem:s19], [sflag:$0x1] =	stream.linear.gather [hbm4b:s6+s2], $0x4000, $0x38;
	[tilespmem:$0x1BD00] =	vst v63  }
0x72: {  	s6 =	sadd.s32 s5, s8  }
0x73: {  	[tilespmem:s20], [sflag:$0x3] =	stream.linear.gather [hbm4b:s6+s2], $0x80, $0x38;
	[tilespmem:$0x1BD00] =	vst v63  }
0x74: {  	s9 =	sadd.s32 $0x2, s9  }
0x75: {  	[spmem:s1] =	stream.indirect.scatter.add.f32 [tilespmem:s23], [sflag:$0x6], $0x80, s25, s26, $0xb8;
	[tilespmem:$0x1BD00] =	vst v63  }
0x76: {  	_ =	swait.ge [sflag:s31], $0x4000  }
0x77: {  	[sflag:s31] =	ssyncset.done $0x0  }
0x78: {  	[sflag:s31] =	ssyncadd.s32 $0xFFFFC000  }
0x79: {  	_ =	swait.ge [sflag:s21], $0x4000  }
0x7a: {  	[sflag:s21] =	ssyncset.done $0x0  }
0x7b: {  	[sflag:s21] =	ssyncadd.s32 $0xFFFFC000  }
0x7c: {  	_ =	swait.ge [sflag:s22], $0x80  }
0x7d: {  	s0 =	sadd.s32 $0x1, s0;
	[sflag:s22] =	ssyncset.done $0x0  }
0x7e: {  	p0 =	sne.s32 s0, s10;
	[sflag:s22] =	ssyncadd.s32 $0xFFFFFF80  }
.Ltmp1:
0x7f: {  	[bflag:$0x0] =	sbarrier.arrive $0xFFFF;
	(pc) =	sbr.rel @p0 .LBB2_1-.Ltmp1, $4  }
0x80: {  	[hbm:s24], [sflag:s7] =	dma.local [spmem:s17], $0x2780  }
0x81: {  	_ =	swait.ge [sflag:s18], $0x2780  }
0x82: {  	[sflag:s18] =	ssyncset.done $0x0  }
0x83: {  	[sflag:s18] =	ssyncadd.s32 $0xFFFFD880  }
0x84: {  	_ =	sfence.sel $0x180000  }
0x85: {  	[bflag:$0x0] =	sbarrier.arrive $0xFFFF  }
0x86: {  	_ =	strace $0x90000047  }
0x87: {  	s0 =	stileid.u32;
	[bflag:$0x2] =	sbarrier.arrive $0xFFFF  }
0x88: {  	p0 =	sne.s32 s0, $0x0;
	s0 =	rddreg [dreg:$0x2]  }
0x89: {  	s0 =	sadd.s32 @!p0 $0x100000, s0  }
0x8a: {  	[sflag:s0] =	ssyncadd.tile.s32 @!p0 $0x1;
	_ =	shalt  }
.Lfunc_end2:
_tile_overlayer_lowered:
.L_overlay_start_2:
0x8b: {  	(tag) =	ssettag $0x2  }
0x8c: {  	s0 =	rddreg [dreg:$0x0];
	s2 =	stileid.u32  }
0x8d: {  	s1 =	rddreg [dreg:$0x1];
	p0 =	sne.s32 s2, $0x0  }
0x8e: {  	s3 =	rddreg [dreg:$0x2];
	[bflag:$0x3] =	sbarrier.arrive $0xFFFF;
	s2 =	simm.s32 @!p0 $0x1C07  }
0x8f: {  	[timem:s3], [sflag:s2] =	dma.local @!p0 [hbm:s0], s1  }
0x90: {  	s0 =	simm.s32 @!p0 $0x7  }
0x91: {  	_ =	swait.ge @!p0 [sflag:s0], s1  }
0x92: {  	s1 =	ssub.s32 @!p0 $0x0, s1;
	[sflag:s0] =	ssyncset.done @!p0 $0x0  }
0x93: {  	[sflag:s0] =	ssyncadd.s32 @!p0 s1  }
0x94: {  	[bflag:$0x3] =	sbarrier.arrive $0xFFFF  }
0x95: {  	_ =	shalt  }

</sc_bundles>
